<compile_context>
chip_gen: v7x
topology: tpu7x:2x2x1
jax: 0.10.2.dev20260603
libtpu: 0.0.44.dev20260713+nightly
codegen_flags: <defaults>
</compile_context>

<pallas_src>
import functools

import jax
import jax.numpy as jnp
from jax import lax
from jax.experimental import pallas as pl
from jax.experimental.pallas import tpu as pltpu
from jax.experimental.pallas import tpu_sc as plsc

CYCLE = 168
T = 336
C = 64
B = 4096

_info = plsc.get_sparse_core_info()
_NC = _info.num_cores
_NS = _info.num_subcores
_NW = _NC * _NS
_BPW = B // _NW


@functools.partial(
    pl.kernel,
    mesh=plsc.VectorSubcoreMesh(core_axis_name="c", subcore_axis_name="s"),
    out_type=jax.ShapeDtypeStruct((B, T, C), jnp.float32),
    scratch_types=[
        pltpu.VMEM((3 * CYCLE, C), jnp.float32),
        pltpu.VMEM((_BPW,), jnp.int32),
        pltpu.SemaphoreType.DMA,
        pltpu.SemaphoreType.DMA,
    ],
)
def _cycle_gather(idx_hbm, data_hbm, out_hbm, table_v, idx_v, stage_sem, sem):
    wid = lax.axis_index("s") * _NC + lax.axis_index("c")
    base = wid * _BPW

    pltpu.make_async_copy(data_hbm, table_v.at[pl.ds(0, CYCLE)], stage_sem).start()
    pltpu.make_async_copy(data_hbm, table_v.at[pl.ds(CYCLE, CYCLE)], stage_sem).start()
    pltpu.make_async_copy(data_hbm, table_v.at[pl.ds(2 * CYCLE, CYCLE)], stage_sem).start()
    pltpu.make_async_copy(idx_hbm.at[pl.ds(base, _BPW)], idx_v, stage_sem).start()
    pltpu.make_async_copy(data_hbm, table_v.at[pl.ds(0, CYCLE)], stage_sem).wait()
    pltpu.make_async_copy(data_hbm, table_v.at[pl.ds(CYCLE, CYCLE)], stage_sem).wait()
    pltpu.make_async_copy(data_hbm, table_v.at[pl.ds(2 * CYCLE, CYCLE)], stage_sem).wait()
    pltpu.make_async_copy(idx_hbm.at[pl.ds(base, _BPW)], idx_v, stage_sem).wait()

    def group(g, carry):
        vec = idx_v[pl.ds(pl.multiple_of(g * _NS, _NS), _NS)]
        for j in range(_NS):
            start = vec[j]
            pltpu.make_async_copy(
                table_v.at[pl.ds(start, T)], out_hbm.at[base + g * _NS + j], sem
            ).start()

        @pl.when(g > 0)
        def _():
            for j in range(_NS):
                pltpu.make_async_copy(
                    table_v.at[pl.ds(0, T)], out_hbm.at[base + j], sem
                ).wait()

        return carry

    lax.fori_loop(0, _BPW // _NS, group, 0)
    for j in range(_NS):
        pltpu.make_async_copy(table_v.at[pl.ds(0, T)], out_hbm.at[base + j], sem).wait()


def kernel(index, length, data):
    del length
    return _cycle_gather(index.astype(jnp.int32), data)

# --- scband reference (transcript-rebuilt; emitter-appended) ---
"""Pipeline reference for scband-recurrent-cycle-49091476193889 (READ-ONLY COPY).

The authoritative reference and input builder live on the scoring server;
editing this copy changes nothing except your own understanding.
"""

import jax, jax.numpy as jnp
import numpy as np

CYCLE_LEN = 168
CHANNEL_SIZE = 64
BATCH = 4096
LENGTH = 336

def setup_inputs(seed: int = 0) -> dict:
    key = jax.random.key(seed)
    k_idx, k_data = jax.random.split(key)
    index = jax.random.randint(k_idx, (BATCH,), 0, CYCLE_LEN, dtype=jnp.int64 if jax.config.jax_enable_x64 else jnp.int32)
    data = jax.random.normal(k_data, (CYCLE_LEN, CHANNEL_SIZE), dtype=jnp.float32)
    return {"index": index, "length": LENGTH, "data": data}

def reference(index, length, data):
    # gather_index = (index.view(-1,1) + arange(length).view(1,-1)) % cycle_len
    steps = jnp.arange(LENGTH) + length * 0
    gather_index = (index.reshape(-1, 1) + steps.reshape(1, -1)) % CYCLE_LEN
    # self.data[gather_index] -> [B, length, channel_size]
    return jnp.take(data, gather_index, axis=0)

if __name__ == "__main__":
    import jax
    _d = setup_inputs()
    print(jax.jit(kernel)(*tuple(_d.values())))

</pallas_src>

<mosaic_0001>
#map = affine_map<(d0, d1) -> (0)>
#map1 = affine_map<(d0, d1) -> (0, 0)>
#map2 = affine_map<(d0, d1) -> (0, 0, 0)>
module attributes {stable_mosaic.version = 14 : i64} {
  func.func @_cycle_gather(%arg0: i32, %arg1: i32, %arg2: memref<4096xi32, #tpu.memory_space<hbm>>, %arg3: memref<168x64xf32, #tpu.memory_space<hbm>>, %arg4: memref<4096x336x64xf32, #tpu.memory_space<hbm>>, %arg5: memref<504x64xf32, #tpu.memory_space<vmem>>, %arg6: memref<128xi32, #tpu.memory_space<vmem>>, %arg7: memref<!tpu.dma_semaphore, #tpu.memory_space<semaphore_mem>>, %arg8: memref<!tpu.dma_semaphore, #tpu.memory_space<semaphore_mem>>) attributes {dimension_semantics = [#tpu.dimension_semantics<core_parallel>, #tpu.dimension_semantics<subcore_parallel>], iteration_bounds = array<i64: 2, 16>, scalar_prefetch = 0 : i64, scratch_operands = 4 : i64, tpu.core_type = #tpu.core_type<sc_vector_subcore>, window_params = [{transform_indices = #map}, {transform_indices = #map1}, {transform_indices = #map2}]} {
    %mul3A = arith.constant 2 : i32
    %mul3A_0 = arith.muli %arg1, %mul3A : i32
    %add3A = arith.addi %mul3A_0, %arg0 : i32
    %mul3A_1 = arith.constant 128 : i32
    %mul3A_2 = arith.muli %add3A, %mul3A_1 : i32
    %dma_start3A = arith.constant 0 : i32
    %dma_start3A_3 = arith.constant 0 : i32
    %dma_start3A_4 = tpu.memref_slice %arg5[%dma_start3A, %dma_start3A_3] : memref<504x64xf32, #tpu.memory_space<vmem>> -> memref<168x64xf32, #tpu.memory_space<vmem>>
    %dma_start3A_5 = arith.constant 0 : i32
    %dma_start3A_6 = arith.constant 0 : i32
    %dma_start3A_7 = tpu.memref_slice %arg5[%dma_start3A_5, %dma_start3A_6] : memref<504x64xf32, #tpu.memory_space<vmem>> -> memref<168x64xf32, #tpu.memory_space<vmem>>
    tpu.enqueue_dma source(%arg3 : memref<168x64xf32, #tpu.memory_space<hbm>>) target(%dma_start3A_7 : memref<168x64xf32, #tpu.memory_space<vmem>>) target_semaphore(%arg7 : memref<!tpu.dma_semaphore, #tpu.memory_space<semaphore_mem>>)
    %dma_start3A_8 = arith.constant 168 : i32
    %dma_start3A_9 = arith.constant 0 : i32
    %dma_start3A_10 = tpu.memref_slice %arg5[%dma_start3A_8, %dma_start3A_9] : memref<504x64xf32, #tpu.memory_space<vmem>> -> memref<168x64xf32, #tpu.memory_space<vmem>>
    %dma_start3A_11 = arith.constant 168 : i32
    %dma_start3A_12 = arith.constant 0 : i32
    %dma_start3A_13 = tpu.memref_slice %arg5[%dma_start3A_11, %dma_start3A_12] : memref<504x64xf32, #tpu.memory_space<vmem>> -> memref<168x64xf32, #tpu.memory_space<vmem>>
    tpu.enqueue_dma source(%arg3 : memref<168x64xf32, #tpu.memory_space<hbm>>) target(%dma_start3A_13 : memref<168x64xf32, #tpu.memory_space<vmem>>) target_semaphore(%arg7 : memref<!tpu.dma_semaphore, #tpu.memory_space<semaphore_mem>>)
    %dma_start3A_14 = arith.constant 336 : i32
    %dma_start3A_15 = arith.constant 0 : i32
    %dma_start3A_16 = tpu.memref_slice %arg5[%dma_start3A_14, %dma_start3A_15] : memref<504x64xf32, #tpu.memory_space<vmem>> -> memref<168x64xf32, #tpu.memory_space<vmem>>
    %dma_start3A_17 = arith.constant 336 : i32
    %dma_start3A_18 = arith.constant 0 : i32
    %dma_start3A_19 = tpu.memref_slice %arg5[%dma_start3A_17, %dma_start3A_18] : memref<504x64xf32, #tpu.memory_space<vmem>> -> memref<168x64xf32, #tpu.memory_space<vmem>>
    tpu.enqueue_dma source(%arg3 : memref<168x64xf32, #tpu.memory_space<hbm>>) target(%dma_start3A_19 : memref<168x64xf32, #tpu.memory_space<vmem>>) target_semaphore(%arg7 : memref<!tpu.dma_semaphore, #tpu.memory_space<semaphore_mem>>)
    %dma_start3A_20 = tpu.memref_slice %arg2[%mul3A_2] : memref<4096xi32, #tpu.memory_space<hbm>> -> memref<128xi32, #tpu.memory_space<hbm>>
    %dma_start3A_21 = tpu.memref_slice %arg2[%mul3A_2] : memref<4096xi32, #tpu.memory_space<hbm>> -> memref<128xi32, #tpu.memory_space<hbm>>
    tpu.enqueue_dma source(%dma_start3A_21 : memref<128xi32, #tpu.memory_space<hbm>>) target(%arg6 : memref<128xi32, #tpu.memory_space<vmem>>) target_semaphore(%arg7 : memref<!tpu.dma_semaphore, #tpu.memory_space<semaphore_mem>>)
    %dma_wait3A = arith.constant 0 : i32
    %dma_wait3A_22 = arith.constant 0 : i32
    %dma_wait3A_23 = tpu.memref_slice %arg5[%dma_wait3A, %dma_wait3A_22] : memref<504x64xf32, #tpu.memory_space<vmem>> -> memref<168x64xf32, #tpu.memory_space<vmem>>
    %dma_wait3A_24 = arith.constant 0 : i32
    %dma_wait3A_25 = arith.constant 0 : i32
    %dma_wait3A_26 = tpu.memref_slice %arg5[%dma_wait3A_24, %dma_wait3A_25] : memref<504x64xf32, #tpu.memory_space<vmem>> -> memref<168x64xf32, #tpu.memory_space<vmem>>
    tpu.wait_dma2 semaphore(%arg7 : memref<!tpu.dma_semaphore, #tpu.memory_space<semaphore_mem>>) src(%arg3 : memref<168x64xf32, #tpu.memory_space<hbm>>) dst(%dma_wait3A_26 : memref<168x64xf32, #tpu.memory_space<vmem>>)
    %dma_wait3A_27 = arith.constant 168 : i32
    %dma_wait3A_28 = arith.constant 0 : i32
    %dma_wait3A_29 = tpu.memref_slice %arg5[%dma_wait3A_27, %dma_wait3A_28] : memref<504x64xf32, #tpu.memory_space<vmem>> -> memref<168x64xf32, #tpu.memory_space<vmem>>
    %dma_wait3A_30 = arith.constant 168 : i32
    %dma_wait3A_31 = arith.constant 0 : i32
    %dma_wait3A_32 = tpu.memref_slice %arg5[%dma_wait3A_30, %dma_wait3A_31] : memref<504x64xf32, #tpu.memory_space<vmem>> -> memref<168x64xf32, #tpu.memory_space<vmem>>
    tpu.wait_dma2 semaphore(%arg7 : memref<!tpu.dma_semaphore, #tpu.memory_space<semaphore_mem>>) src(%arg3 : memref<168x64xf32, #tpu.memory_space<hbm>>) dst(%dma_wait3A_32 : memref<168x64xf32, #tpu.memory_space<vmem>>)
    %dma_wait3A_33 = arith.constant 336 : i32
    %dma_wait3A_34 = arith.constant 0 : i32
    %dma_wait3A_35 = tpu.memref_slice %arg5[%dma_wait3A_33, %dma_wait3A_34] : memref<504x64xf32, #tpu.memory_space<vmem>> -> memref<168x64xf32, #tpu.memory_space<vmem>>
    %dma_wait3A_36 = arith.constant 336 : i32
    %dma_wait3A_37 = arith.constant 0 : i32
    %dma_wait3A_38 = tpu.memref_slice %arg5[%dma_wait3A_36, %dma_wait3A_37] : memref<504x64xf32, #tpu.memory_space<vmem>> -> memref<168x64xf32, #tpu.memory_space<vmem>>
    tpu.wait_dma2 semaphore(%arg7 : memref<!tpu.dma_semaphore, #tpu.memory_space<semaphore_mem>>) src(%arg3 : memref<168x64xf32, #tpu.memory_space<hbm>>) dst(%dma_wait3A_38 : memref<168x64xf32, #tpu.memory_space<vmem>>)
    %dma_wait3A_39 = tpu.memref_slice %arg2[%mul3A_2] : memref<4096xi32, #tpu.memory_space<hbm>> -> memref<128xi32, #tpu.memory_space<hbm>>
    %dma_wait3A_40 = tpu.memref_slice %arg2[%mul3A_2] : memref<4096xi32, #tpu.memory_space<hbm>> -> memref<128xi32, #tpu.memory_space<hbm>>
    tpu.wait_dma2 semaphore(%arg7 : memref<!tpu.dma_semaphore, #tpu.memory_space<semaphore_mem>>) src(%dma_wait3A_40 : memref<128xi32, #tpu.memory_space<hbm>>) dst(%arg6 : memref<128xi32, #tpu.memory_space<vmem>>)
    %scan3A = arith.constant 0 : i32
    %scan3A_41 = arith.constant 0 : i32
    %scan3A_42 = arith.constant 8 : i32
    %scan3A_43 = arith.addi %scan3A_41, %scan3A_42 : i32
    %scan3A_44 = arith.constant 1 : i32
    scf.for %scan3A_302 = %scan3A_41 to %scan3A_43 step %scan3A_44  : i32 {
      %mul3A_303 = arith.constant 16 : i32
      %mul3A_304 = arith.muli %scan3A_302, %mul3A_303 : i32
      %multiple_of3A = tpu.assume_multiple %mul3A_304, 16 : i32
      %get3A = arith.index_cast %multiple_of3A : i32 to index
      %get3A_305 = tpu.vector_load %arg6[%get3A] {strides = array<i32>} : memref<128xi32, #tpu.memory_space<vmem>>, vector<16xi32>,
      %get3A_306 = vector.shape_cast %get3A_305 : vector<16xi32> to vector<16xi32>
      %slice3A = vector.extract_strided_slice %get3A_306 {offsets = [0], sizes = [1], strides = [1]} : vector<16xi32> to vector<1xi32>
      %squeeze3A = vector.extract %slice3A[0] : i32 from vector<1xi32>
      %mul3A_307 = arith.constant 16 : i32
      %mul3A_308 = arith.muli %scan3A_302, %mul3A_307 : i32
      %add3A_309 = arith.addi %mul3A_2, %mul3A_308 : i32
      %add3A_310 = arith.constant 0 : i32
      %add3A_311 = arith.addi %add3A_309, %add3A_310 : i32
      %dma_start3A_312 = arith.constant 0 : i32
      %dma_start3A_313 = tpu.memref_slice %arg5[%squeeze3A, %dma_start3A_312] : memref<504x64xf32, #tpu.memory_space<vmem>> -> memref<336x64xf32, #tpu.memory_space<vmem>>
      %dma_start3A_314 = arith.constant 0 : i32
      %dma_start3A_315 = arith.constant 0 : i32
      %dma_start3A_316 = tpu.memref_slice %arg4[%add3A_311, %dma_start3A_314, %dma_start3A_315] : memref<4096x336x64xf32, #tpu.memory_space<hbm>> -> memref<1x336x64xf32, #tpu.memory_space<hbm>>
      %dma_start3A_317 = tpu.memref_squeeze %dma_start3A_316 : memref<1x336x64xf32, #tpu.memory_space<hbm>> -> memref<336x64xf32, #tpu.memory_space<hbm>>
      %dma_start3A_318 = arith.constant 0 : i32
      %dma_start3A_319 = arith.constant 0 : i32
      %dma_start3A_320 = tpu.memref_slice %arg4[%add3A_311, %dma_start3A_318, %dma_start3A_319] : memref<4096x336x64xf32, #tpu.memory_space<hbm>> -> memref<1x336x64xf32, #tpu.memory_space<hbm>>
      %dma_start3A_321 = tpu.memref_squeeze %dma_start3A_320 : memref<1x336x64xf32, #tpu.memory_space<hbm>> -> memref<336x64xf32, #tpu.memory_space<hbm>>
      %dma_start3A_322 = arith.constant 0 : i32
      %dma_start3A_323 = tpu.memref_slice %arg5[%squeeze3A, %dma_start3A_322] : memref<504x64xf32, #tpu.memory_space<vmem>> -> memref<336x64xf32, #tpu.memory_space<vmem>>
      tpu.enqueue_dma source(%dma_start3A_323 : memref<336x64xf32, #tpu.memory_space<vmem>>) target(%dma_start3A_321 : memref<336x64xf32, #tpu.memory_space<hbm>>) target_semaphore(%arg8 : memref<!tpu.dma_semaphore, #tpu.memory_space<semaphore_mem>>)
      %slice3A_324 = vector.extract_strided_slice %get3A_306 {offsets = [1], sizes = [1], strides = [1]} : vector<16xi32> to vector<1xi32>
      %squeeze3A_325 = vector.extract %slice3A_324[0] : i32 from vector<1xi32>
      %mul3A_326 = arith.constant 16 : i32
      %mul3A_327 = arith.muli %scan3A_302, %mul3A_326 : i32
      %add3A_328 = arith.addi %mul3A_2, %mul3A_327 : i32
      %add3A_329 = arith.constant 1 : i32
      %add3A_330 = arith.addi %add3A_328, %add3A_329 : i32
      %dma_start3A_331 = arith.constant 0 : i32
      %dma_start3A_332 = tpu.memref_slice %arg5[%squeeze3A_325, %dma_start3A_331] : memref<504x64xf32, #tpu.memory_space<vmem>> -> memref<336x64xf32, #tpu.memory_space<vmem>>
      %dma_start3A_333 = arith.constant 0 : i32
      %dma_start3A_334 = arith.constant 0 : i32
      %dma_start3A_335 = tpu.memref_slice %arg4[%add3A_330, %dma_start3A_333, %dma_start3A_334] : memref<4096x336x64xf32, #tpu.memory_space<hbm>> -> memref<1x336x64xf32, #tpu.memory_space<hbm>>
      %dma_start3A_336 = tpu.memref_squeeze %dma_start3A_335 : memref<1x336x64xf32, #tpu.memory_space<hbm>> -> memref<336x64xf32, #tpu.memory_space<hbm>>
      %dma_start3A_337 = arith.constant 0 : i32
      %dma_start3A_338 = arith.constant 0 : i32
      %dma_start3A_339 = tpu.memref_slice %arg4[%add3A_330, %dma_start3A_337, %dma_start3A_338] : memref<4096x336x64xf32, #tpu.memory_space<hbm>> -> memref<1x336x64xf32, #tpu.memory_space<hbm>>
      %dma_start3A_340 = tpu.memref_squeeze %dma_start3A_339 : memref<1x336x64xf32, #tpu.memory_space<hbm>> -> memref<336x64xf32, #tpu.memory_space<hbm>>
      %dma_start3A_341 = arith.constant 0 : i32
      %dma_start3A_342 = tpu.memref_slice %arg5[%squeeze3A_325, %dma_start3A_341] : memref<504x64xf32, #tpu.memory_space<vmem>> -> memref<336x64xf32, #tpu.memory_space<vmem>>
      tpu.enqueue_dma source(%dma_start3A_342 : memref<336x64xf32, #tpu.memory_space<vmem>>) target(%dma_start3A_340 : memref<336x64xf32, #tpu.memory_space<hbm>>) target_semaphore(%arg8 : memref<!tpu.dma_semaphore, #tpu.memory_space<semaphore_mem>>)
      %slice3A_343 = vector.extract_strided_slice %get3A_306 {offsets = [2], sizes = [1], strides = [1]} : vector<16xi32> to vector<1xi32>
      %squeeze3A_344 = vector.extract %slice3A_343[0] : i32 from vector<1xi32>
      %mul3A_345 = arith.constant 16 : i32
      %mul3A_346 = arith.muli %scan3A_302, %mul3A_345 : i32
      %add3A_347 = arith.addi %mul3A_2, %mul3A_346 : i32
      %add3A_348 = arith.constant 2 : i32
      %add3A_349 = arith.addi %add3A_347, %add3A_348 : i32
      %dma_start3A_350 = arith.constant 0 : i32
      %dma_start3A_351 = tpu.memref_slice %arg5[%squeeze3A_344, %dma_start3A_350] : memref<504x64xf32, #tpu.memory_space<vmem>> -> memref<336x64xf32, #tpu.memory_space<vmem>>
      %dma_start3A_352 = arith.constant 0 : i32
      %dma_start3A_353 = arith.constant 0 : i32
      %dma_start3A_354 = tpu.memref_slice %arg4[%add3A_349, %dma_start3A_352, %dma_start3A_353] : memref<4096x336x64xf32, #tpu.memory_space<hbm>> -> memref<1x336x64xf32, #tpu.memory_space<hbm>>
      %dma_start3A_355 = tpu.memref_squeeze %dma_start3A_354 : memref<1x336x64xf32, #tpu.memory_space<hbm>> -> memref<336x64xf32, #tpu.memory_space<hbm>>
      %dma_start3A_356 = arith.constant 0 : i32
      %dma_start3A_357 = arith.constant 0 : i32
      %dma_start3A_358 = tpu.memref_slice %arg4[%add3A_349, %dma_start3A_356, %dma_start3A_357] : memref<4096x336x64xf32, #tpu.memory_space<hbm>> -> memref<1x336x64xf32, #tpu.memory_space<hbm>>
      %dma_start3A_359 = tpu.memref_squeeze %dma_start3A_358 : memref<1x336x64xf32, #tpu.memory_space<hbm>> -> memref<336x64xf32, #tpu.memory_space<hbm>>
      %dma_start3A_360 = arith.constant 0 : i32
      %dma_start3A_361 = tpu.memref_slice %arg5[%squeeze3A_344, %dma_start3A_360] : memref<504x64xf32, #tpu.memory_space<vmem>> -> memref<336x64xf32, #tpu.memory_space<vmem>>
      tpu.enqueue_dma source(%dma_start3A_361 : memref<336x64xf32, #tpu.memory_space<vmem>>) target(%dma_start3A_359 : memref<336x64xf32, #tpu.memory_space<hbm>>) target_semaphore(%arg8 : memref<!tpu.dma_semaphore, #tpu.memory_space<semaphore_mem>>)
      %slice3A_362 = vector.extract_strided_slice %get3A_306 {offsets = [3], sizes = [1], strides = [1]} : vector<16xi32> to vector<1xi32>
      %squeeze3A_363 = vector.extract %slice3A_362[0] : i32 from vector<1xi32>
      %mul3A_364 = arith.constant 16 : i32
      %mul3A_365 = arith.muli %scan3A_302, %mul3A_364 : i32
      %add3A_366 = arith.addi %mul3A_2, %mul3A_365 : i32
      %add3A_367 = arith.constant 3 : i32
      %add3A_368 = arith.addi %add3A_366, %add3A_367 : i32
      %dma_start3A_369 = arith.constant 0 : i32
      %dma_start3A_370 = tpu.memref_slice %arg5[%squeeze3A_363, %dma_start3A_369] : memref<504x64xf32, #tpu.memory_space<vmem>> -> memref<336x64xf32, #tpu.memory_space<vmem>>
      %dma_start3A_371 = arith.constant 0 : i32
      %dma_start3A_372 = arith.constant 0 : i32
      %dma_start3A_373 = tpu.memref_slice %arg4[%add3A_368, %dma_start3A_371, %dma_start3A_372] : memref<4096x336x64xf32, #tpu.memory_space<hbm>> -> memref<1x336x64xf32, #tpu.memory_space<hbm>>
      %dma_start3A_374 = tpu.memref_squeeze %dma_start3A_373 : memref<1x336x64xf32, #tpu.memory_space<hbm>> -> memref<336x64xf32, #tpu.memory_space<hbm>>
      %dma_start3A_375 = arith.constant 0 : i32
      %dma_start3A_376 = arith.constant 0 : i32
      %dma_start3A_377 = tpu.memref_slice %arg4[%add3A_368, %dma_start3A_375, %dma_start3A_376] : memref<4096x336x64xf32, #tpu.memory_space<hbm>> -> memref<1x336x64xf32, #tpu.memory_space<hbm>>
      %dma_start3A_378 = tpu.memref_squeeze %dma_start3A_377 : memref<1x336x64xf32, #tpu.memory_space<hbm>> -> memref<336x64xf32, #tpu.memory_space<hbm>>
      %dma_start3A_379 = arith.constant 0 : i32
      %dma_start3A_380 = tpu.memref_slice %arg5[%squeeze3A_363, %dma_start3A_379] : memref<504x64xf32, #tpu.memory_space<vmem>> -> memref<336x64xf32, #tpu.memory_space<vmem>>
      tpu.enqueue_dma source(%dma_start3A_380 : memref<336x64xf32, #tpu.memory_space<vmem>>) target(%dma_start3A_378 : memref<336x64xf32, #tpu.memory_space<hbm>>) target_semaphore(%arg8 : memref<!tpu.dma_semaphore, #tpu.memory_space<semaphore_mem>>)
      %slice3A_381 = vector.extract_strided_slice %get3A_306 {offsets = [4], sizes = [1], strides = [1]} : vector<16xi32> to vector<1xi32>
      %squeeze3A_382 = vector.extract %slice3A_381[0] : i32 from vector<1xi32>
      %mul3A_383 = arith.constant 16 : i32
      %mul3A_384 = arith.muli %scan3A_302, %mul3A_383 : i32
      %add3A_385 = arith.addi %mul3A_2, %mul3A_384 : i32
      %add3A_386 = arith.constant 4 : i32
      %add3A_387 = arith.addi %add3A_385, %add3A_386 : i32
      %dma_start3A_388 = arith.constant 0 : i32
      %dma_start3A_389 = tpu.memref_slice %arg5[%squeeze3A_382, %dma_start3A_388] : memref<504x64xf32, #tpu.memory_space<vmem>> -> memref<336x64xf32, #tpu.memory_space<vmem>>
      %dma_start3A_390 = arith.constant 0 : i32
      %dma_start3A_391 = arith.constant 0 : i32
      %dma_start3A_392 = tpu.memref_slice %arg4[%add3A_387, %dma_start3A_390, %dma_start3A_391] : memref<4096x336x64xf32, #tpu.memory_space<hbm>> -> memref<1x336x64xf32, #tpu.memory_space<hbm>>
      %dma_start3A_393 = tpu.memref_squeeze %dma_start3A_392 : memref<1x336x64xf32, #tpu.memory_space<hbm>> -> memref<336x64xf32, #tpu.memory_space<hbm>>
      %dma_start3A_394 = arith.constant 0 : i32
      %dma_start3A_395 = arith.constant 0 : i32
      %dma_start3A_396 = tpu.memref_slice %arg4[%add3A_387, %dma_start3A_394, %dma_start3A_395] : memref<4096x336x64xf32, #tpu.memory_space<hbm>> -> memref<1x336x64xf32, #tpu.memory_space<hbm>>
      %dma_start3A_397 = tpu.memref_squeeze %dma_start3A_396 : memref<1x336x64xf32, #tpu.memory_space<hbm>> -> memref<336x64xf32, #tpu.memory_space<hbm>>
      %dma_start3A_398 = arith.constant 0 : i32
      %dma_start3A_399 = tpu.memref_slice %arg5[%squeeze3A_382, %dma_start3A_398] : memref<504x64xf32, #tpu.memory_space<vmem>> -> memref<336x64xf32, #tpu.memory_space<vmem>>
      tpu.enqueue_dma source(%dma_start3A_399 : memref<336x64xf32, #tpu.memory_space<vmem>>) target(%dma_start3A_397 : memref<336x64xf32, #tpu.memory_space<hbm>>) target_semaphore(%arg8 : memref<!tpu.dma_semaphore, #tpu.memory_space<semaphore_mem>>)
      %slice3A_400 = vector.extract_strided_slice %get3A_306 {offsets = [5], sizes = [1], strides = [1]} : vector<16xi32> to vector<1xi32>
      %squeeze3A_401 = vector.extract %slice3A_400[0] : i32 from vector<1xi32>
      %mul3A_402 = arith.constant 16 : i32
      %mul3A_403 = arith.muli %scan3A_302, %mul3A_402 : i32
      %add3A_404 = arith.addi %mul3A_2, %mul3A_403 : i32
      %add3A_405 = arith.constant 5 : i32
      %add3A_406 = arith.addi %add3A_404, %add3A_405 : i32
      %dma_start3A_407 = arith.constant 0 : i32
      %dma_start3A_408 = tpu.memref_slice %arg5[%squeeze3A_401, %dma_start3A_407] : memref<504x64xf32, #tpu.memory_space<vmem>> -> memref<336x64xf32, #tpu.memory_space<vmem>>
      %dma_start3A_409 = arith.constant 0 : i32
      %dma_start3A_410 = arith.constant 0 : i32
      %dma_start3A_411 = tpu.memref_slice %arg4[%add3A_406, %dma_start3A_409, %dma_start3A_410] : memref<4096x336x64xf32, #tpu.memory_space<hbm>> -> memref<1x336x64xf32, #tpu.memory_space<hbm>>
      %dma_start3A_412 = tpu.memref_squeeze %dma_start3A_411 : memref<1x336x64xf32, #tpu.memory_space<hbm>> -> memref<336x64xf32, #tpu.memory_space<hbm>>
      %dma_start3A_413 = arith.constant 0 : i32
      %dma_start3A_414 = arith.constant 0 : i32
      %dma_start3A_415 = tpu.memref_slice %arg4[%add3A_406, %dma_start3A_413, %dma_start3A_414] : memref<4096x336x64xf32, #tpu.memory_space<hbm>> -> memref<1x336x64xf32, #tpu.memory_space<hbm>>
      %dma_start3A_416 = tpu.memref_squeeze %dma_start3A_415 : memref<1x336x64xf32, #tpu.memory_space<hbm>> -> memref<336x64xf32, #tpu.memory_space<hbm>>
      %dma_start3A_417 = arith.constant 0 : i32
      %dma_start3A_418 = tpu.memref_slice %arg5[%squeeze3A_401, %dma_start3A_417] : memref<504x64xf32, #tpu.memory_space<vmem>> -> memref<336x64xf32, #tpu.memory_space<vmem>>
      tpu.enqueue_dma source(%dma_start3A_418 : memref<336x64xf32, #tpu.memory_space<vmem>>) target(%dma_start3A_416 : memref<336x64xf32, #tpu.memory_space<hbm>>) target_semaphore(%arg8 : memref<!tpu.dma_semaphore, #tpu.memory_space<semaphore_mem>>)
      %slice3A_419 = vector.extract_strided_slice %get3A_306 {offsets = [6], sizes = [1], strides = [1]} : vector<16xi32> to vector<1xi32>
      %squeeze3A_420 = vector.extract %slice3A_419[0] : i32 from vector<1xi32>
      %mul3A_421 = arith.constant 16 : i32
      %mul3A_422 = arith.muli %scan3A_302, %mul3A_421 : i32
      %add3A_423 = arith.addi %mul3A_2, %mul3A_422 : i32
      %add3A_424 = arith.constant 6 : i32
      %add3A_425 = arith.addi %add3A_423, %add3A_424 : i32
      %dma_start3A_426 = arith.constant 0 : i32
      %dma_start3A_427 = tpu.memref_slice %arg5[%squeeze3A_420, %dma_start3A_426] : memref<504x64xf32, #tpu.memory_space<vmem>> -> memref<336x64xf32, #tpu.memory_space<vmem>>
      %dma_start3A_428 = arith.constant 0 : i32
      %dma_start3A_429 = arith.constant 0 : i32
      %dma_start3A_430 = tpu.memref_slice %arg4[%add3A_425, %dma_start3A_428, %dma_start3A_429] : memref<4096x336x64xf32, #tpu.memory_space<hbm>> -> memref<1x336x64xf32, #tpu.memory_space<hbm>>
      %dma_start3A_431 = tpu.memref_squeeze %dma_start3A_430 : memref<1x336x64xf32, #tpu.memory_space<hbm>> -> memref<336x64xf32, #tpu.memory_space<hbm>>
      %dma_start3A_432 = arith.constant 0 : i32
      %dma_start3A_433 = arith.constant 0 : i32
      %dma_start3A_434 = tpu.memref_slice %arg4[%add3A_425, %dma_start3A_432, %dma_start3A_433] : memref<4096x336x64xf32, #tpu.memory_space<hbm>> -> memref<1x336x64xf32, #tpu.memory_space<hbm>>
      %dma_start3A_435 = tpu.memref_squeeze %dma_start3A_434 : memref<1x336x64xf32, #tpu.memory_space<hbm>> -> memref<336x64xf32, #tpu.memory_space<hbm>>
      %dma_start3A_436 = arith.constant 0 : i32
      %dma_start3A_437 = tpu.memref_slice %arg5[%squeeze3A_420, %dma_start3A_436] : memref<504x64xf32, #tpu.memory_space<vmem>> -> memref<336x64xf32, #tpu.memory_space<vmem>>
      tpu.enqueue_dma source(%dma_start3A_437 : memref<336x64xf32, #tpu.memory_space<vmem>>) target(%dma_start3A_435 : memref<336x64xf32, #tpu.memory_space<hbm>>) target_semaphore(%arg8 : memref<!tpu.dma_semaphore, #tpu.memory_space<semaphore_mem>>)
      %slice3A_438 = vector.extract_strided_slice %get3A_306 {offsets = [7], sizes = [1], strides = [1]} : vector<16xi32> to vector<1xi32>
      %squeeze3A_439 = vector.extract %slice3A_438[0] : i32 from vector<1xi32>
      %mul3A_440 = arith.constant 16 : i32
      %mul3A_441 = arith.muli %scan3A_302, %mul3A_440 : i32
      %add3A_442 = arith.addi %mul3A_2, %mul3A_441 : i32
      %add3A_443 = arith.constant 7 : i32
      %add3A_444 = arith.addi %add3A_442, %add3A_443 : i32
      %dma_start3A_445 = arith.constant 0 : i32
      %dma_start3A_446 = tpu.memref_slice %arg5[%squeeze3A_439, %dma_start3A_445] : memref<504x64xf32, #tpu.memory_space<vmem>> -> memref<336x64xf32, #tpu.memory_space<vmem>>
      %dma_start3A_447 = arith.constant 0 : i32
      %dma_start3A_448 = arith.constant 0 : i32
      %dma_start3A_449 = tpu.memref_slice %arg4[%add3A_444, %dma_start3A_447, %dma_start3A_448] : memref<4096x336x64xf32, #tpu.memory_space<hbm>> -> memref<1x336x64xf32, #tpu.memory_space<hbm>>
      %dma_start3A_450 = tpu.memref_squeeze %dma_start3A_449 : memref<1x336x64xf32, #tpu.memory_space<hbm>> -> memref<336x64xf32, #tpu.memory_space<hbm>>
      %dma_start3A_451 = arith.constant 0 : i32
      %dma_start3A_452 = arith.constant 0 : i32
      %dma_start3A_453 = tpu.memref_slice %arg4[%add3A_444, %dma_start3A_451, %dma_start3A_452] : memref<4096x336x64xf32, #tpu.memory_space<hbm>> -> memref<1x336x64xf32, #tpu.memory_space<hbm>>
      %dma_start3A_454 = tpu.memref_squeeze %dma_start3A_453 : memref<1x336x64xf32, #tpu.memory_space<hbm>> -> memref<336x64xf32, #tpu.memory_space<hbm>>
      %dma_start3A_455 = arith.constant 0 : i32
      %dma_start3A_456 = tpu.memref_slice %arg5[%squeeze3A_439, %dma_start3A_455] : memref<504x64xf32, #tpu.memory_space<vmem>> -> memref<336x64xf32, #tpu.memory_space<vmem>>
      tpu.enqueue_dma source(%dma_start3A_456 : memref<336x64xf32, #tpu.memory_space<vmem>>) target(%dma_start3A_454 : memref<336x64xf32, #tpu.memory_space<hbm>>) target_semaphore(%arg8 : memref<!tpu.dma_semaphore, #tpu.memory_space<semaphore_mem>>)
      %slice3A_457 = vector.extract_strided_slice %get3A_306 {offsets = [8], sizes = [1], strides = [1]} : vector<16xi32> to vector<1xi32>
      %squeeze3A_458 = vector.extract %slice3A_457[0] : i32 from vector<1xi32>
      %mul3A_459 = arith.constant 16 : i32
      %mul3A_460 = arith.muli %scan3A_302, %mul3A_459 : i32
      %add3A_461 = arith.addi %mul3A_2, %mul3A_460 : i32
      %add3A_462 = arith.constant 8 : i32
      %add3A_463 = arith.addi %add3A_461, %add3A_462 : i32
      %dma_start3A_464 = arith.constant 0 : i32
      %dma_start3A_465 = tpu.memref_slice %arg5[%squeeze3A_458, %dma_start3A_464] : memref<504x64xf32, #tpu.memory_space<vmem>> -> memref<336x64xf32, #tpu.memory_space<vmem>>
      %dma_start3A_466 = arith.constant 0 : i32
      %dma_start3A_467 = arith.constant 0 : i32
      %dma_start3A_468 = tpu.memref_slice %arg4[%add3A_463, %dma_start3A_466, %dma_start3A_467] : memref<4096x336x64xf32, #tpu.memory_space<hbm>> -> memref<1x336x64xf32, #tpu.memory_space<hbm>>
      %dma_start3A_469 = tpu.memref_squeeze %dma_start3A_468 : memref<1x336x64xf32, #tpu.memory_space<hbm>> -> memref<336x64xf32, #tpu.memory_space<hbm>>
      %dma_start3A_470 = arith.constant 0 : i32
      %dma_start3A_471 = arith.constant 0 : i32
      %dma_start3A_472 = tpu.memref_slice %arg4[%add3A_463, %dma_start3A_470, %dma_start3A_471] : memref<4096x336x64xf32, #tpu.memory_space<hbm>> -> memref<1x336x64xf32, #tpu.memory_space<hbm>>
      %dma_start3A_473 = tpu.memref_squeeze %dma_start3A_472 : memref<1x336x64xf32, #tpu.memory_space<hbm>> -> memref<336x64xf32, #tpu.memory_space<hbm>>
      %dma_start3A_474 = arith.constant 0 : i32
      %dma_start3A_475 = tpu.memref_slice %arg5[%squeeze3A_458, %dma_start3A_474] : memref<504x64xf32, #tpu.memory_space<vmem>> -> memref<336x64xf32, #tpu.memory_space<vmem>>
      tpu.enqueue_dma source(%dma_start3A_475 : memref<336x64xf32, #tpu.memory_space<vmem>>) target(%dma_start3A_473 : memref<336x64xf32, #tpu.memory_space<hbm>>) target_semaphore(%arg8 : memref<!tpu.dma_semaphore, #tpu.memory_space<semaphore_mem>>)
      %slice3A_476 = vector.extract_strided_slice %get3A_306 {offsets = [9], sizes = [1], strides = [1]} : vector<16xi32> to vector<1xi32>
      %squeeze3A_477 = vector.extract %slice3A_476[0] : i32 from vector<1xi32>
      %mul3A_478 = arith.constant 16 : i32
      %mul3A_479 = arith.muli %scan3A_302, %mul3A_478 : i32
      %add3A_480 = arith.addi %mul3A_2, %mul3A_479 : i32
      %add3A_481 = arith.constant 9 : i32
      %add3A_482 = arith.addi %add3A_480, %add3A_481 : i32
      %dma_start3A_483 = arith.constant 0 : i32
      %dma_start3A_484 = tpu.memref_slice %arg5[%squeeze3A_477, %dma_start3A_483] : memref<504x64xf32, #tpu.memory_space<vmem>> -> memref<336x64xf32, #tpu.memory_space<vmem>>
      %dma_start3A_485 = arith.constant 0 : i32
      %dma_start3A_486 = arith.constant 0 : i32
      %dma_start3A_487 = tpu.memref_slice %arg4[%add3A_482, %dma_start3A_485, %dma_start3A_486] : memref<4096x336x64xf32, #tpu.memory_space<hbm>> -> memref<1x336x64xf32, #tpu.memory_space<hbm>>
      %dma_start3A_488 = tpu.memref_squeeze %dma_start3A_487 : memref<1x336x64xf32, #tpu.memory_space<hbm>> -> memref<336x64xf32, #tpu.memory_space<hbm>>
      %dma_start3A_489 = arith.constant 0 : i32
      %dma_start3A_490 = arith.constant 0 : i32
      %dma_start3A_491 = tpu.memref_slice %arg4[%add3A_482, %dma_start3A_489, %dma_start3A_490] : memref<4096x336x64xf32, #tpu.memory_space<hbm>> -> memref<1x336x64xf32, #tpu.memory_space<hbm>>
      %dma_start3A_492 = tpu.memref_squeeze %dma_start3A_491 : memref<1x336x64xf32, #tpu.memory_space<hbm>> -> memref<336x64xf32, #tpu.memory_space<hbm>>
      %dma_start3A_493 = arith.constant 0 : i32
      %dma_start3A_494 = tpu.memref_slice %arg5[%squeeze3A_477, %dma_start3A_493] : memref<504x64xf32, #tpu.memory_space<vmem>> -> memref<336x64xf32, #tpu.memory_space<vmem>>
      tpu.enqueue_dma source(%dma_start3A_494 : memref<336x64xf32, #tpu.memory_space<vmem>>) target(%dma_start3A_492 : memref<336x64xf32, #tpu.memory_space<hbm>>) target_semaphore(%arg8 : memref<!tpu.dma_semaphore, #tpu.memory_space<semaphore_mem>>)
      %slice3A_495 = vector.extract_strided_slice %get3A_306 {offsets = [10], sizes = [1], strides = [1]} : vector<16xi32> to vector<1xi32>
      %squeeze3A_496 = vector.extract %slice3A_495[0] : i32 from vector<1xi32>
      %mul3A_497 = arith.constant 16 : i32
      %mul3A_498 = arith.muli %scan3A_302, %mul3A_497 : i32
      %add3A_499 = arith.addi %mul3A_2, %mul3A_498 : i32
      %add3A_500 = arith.constant 10 : i32
      %add3A_501 = arith.addi %add3A_499, %add3A_500 : i32
      %dma_start3A_502 = arith.constant 0 : i32
      %dma_start3A_503 = tpu.memref_slice %arg5[%squeeze3A_496, %dma_start3A_502] : memref<504x64xf32, #tpu.memory_space<vmem>> -> memref<336x64xf32, #tpu.memory_space<vmem>>
      %dma_start3A_504 = arith.constant 0 : i32
      %dma_start3A_505 = arith.constant 0 : i32
      %dma_start3A_506 = tpu.memref_slice %arg4[%add3A_501, %dma_start3A_504, %dma_start3A_505] : memref<4096x336x64xf32, #tpu.memory_space<hbm>> -> memref<1x336x64xf32, #tpu.memory_space<hbm>>
      %dma_start3A_507 = tpu.memref_squeeze %dma_start3A_506 : memref<1x336x64xf32, #tpu.memory_space<hbm>> -> memref<336x64xf32, #tpu.memory_space<hbm>>
      %dma_start3A_508 = arith.constant 0 : i32
      %dma_start3A_509 = arith.constant 0 : i32
      %dma_start3A_510 = tpu.memref_slice %arg4[%add3A_501, %dma_start3A_508, %dma_start3A_509] : memref<4096x336x64xf32, #tpu.memory_space<hbm>> -> memref<1x336x64xf32, #tpu.memory_space<hbm>>
      %dma_start3A_511 = tpu.memref_squeeze %dma_start3A_510 : memref<1x336x64xf32, #tpu.memory_space<hbm>> -> memref<336x64xf32, #tpu.memory_space<hbm>>
      %dma_start3A_512 = arith.constant 0 : i32
      %dma_start3A_513 = tpu.memref_slice %arg5[%squeeze3A_496, %dma_start3A_512] : memref<504x64xf32, #tpu.memory_space<vmem>> -> memref<336x64xf32, #tpu.memory_space<vmem>>
      tpu.enqueue_dma source(%dma_start3A_513 : memref<336x64xf32, #tpu.memory_space<vmem>>) target(%dma_start3A_511 : memref<336x64xf32, #tpu.memory_space<hbm>>) target_semaphore(%arg8 : memref<!tpu.dma_semaphore, #tpu.memory_space<semaphore_mem>>)
      %slice3A_514 = vector.extract_strided_slice %get3A_306 {offsets = [11], sizes = [1], strides = [1]} : vector<16xi32> to vector<1xi32>
      %squeeze3A_515 = vector.extract %slice3A_514[0] : i32 from vector<1xi32>
      %mul3A_516 = arith.constant 16 : i32
      %mul3A_517 = arith.muli %scan3A_302, %mul3A_516 : i32
      %add3A_518 = arith.addi %mul3A_2, %mul3A_517 : i32
      %add3A_519 = arith.constant 11 : i32
      %add3A_520 = arith.addi %add3A_518, %add3A_519 : i32
      %dma_start3A_521 = arith.constant 0 : i32
      %dma_start3A_522 = tpu.memref_slice %arg5[%squeeze3A_515, %dma_start3A_521] : memref<504x64xf32, #tpu.memory_space<vmem>> -> memref<336x64xf32, #tpu.memory_space<vmem>>
      %dma_start3A_523 = arith.constant 0 : i32
      %dma_start3A_524 = arith.constant 0 : i32
      %dma_start3A_525 = tpu.memref_slice %arg4[%add3A_520, %dma_start3A_523, %dma_start3A_524] : memref<4096x336x64xf32, #tpu.memory_space<hbm>> -> memref<1x336x64xf32, #tpu.memory_space<hbm>>
      %dma_start3A_526 = tpu.memref_squeeze %dma_start3A_525 : memref<1x336x64xf32, #tpu.memory_space<hbm>> -> memref<336x64xf32, #tpu.memory_space<hbm>>
      %dma_start3A_527 = arith.constant 0 : i32
      %dma_start3A_528 = arith.constant 0 : i32
      %dma_start3A_529 = tpu.memref_slice %arg4[%add3A_520, %dma_start3A_527, %dma_start3A_528] : memref<4096x336x64xf32, #tpu.memory_space<hbm>> -> memref<1x336x64xf32, #tpu.memory_space<hbm>>
      %dma_start3A_530 = tpu.memref_squeeze %dma_start3A_529 : memref<1x336x64xf32, #tpu.memory_space<hbm>> -> memref<336x64xf32, #tpu.memory_space<hbm>>
      %dma_start3A_531 = arith.constant 0 : i32
      %dma_start3A_532 = tpu.memref_slice %arg5[%squeeze3A_515, %dma_start3A_531] : memref<504x64xf32, #tpu.memory_space<vmem>> -> memref<336x64xf32, #tpu.memory_space<vmem>>
      tpu.enqueue_dma source(%dma_start3A_532 : memref<336x64xf32, #tpu.memory_space<vmem>>) target(%dma_start3A_530 : memref<336x64xf32, #tpu.memory_space<hbm>>) target_semaphore(%arg8 : memref<!tpu.dma_semaphore, #tpu.memory_space<semaphore_mem>>)
      %slice3A_533 = vector.extract_strided_slice %get3A_306 {offsets = [12], sizes = [1], strides = [1]} : vector<16xi32> to vector<1xi32>
      %squeeze3A_534 = vector.extract %slice3A_533[0] : i32 from vector<1xi32>
      %mul3A_535 = arith.constant 16 : i32
      %mul3A_536 = arith.muli %scan3A_302, %mul3A_535 : i32
      %add3A_537 = arith.addi %mul3A_2, %mul3A_536 : i32
      %add3A_538 = arith.constant 12 : i32
      %add3A_539 = arith.addi %add3A_537, %add3A_538 : i32
      %dma_start3A_540 = arith.constant 0 : i32
      %dma_start3A_541 = tpu.memref_slice %arg5[%squeeze3A_534, %dma_start3A_540] : memref<504x64xf32, #tpu.memory_space<vmem>> -> memref<336x64xf32, #tpu.memory_space<vmem>>
      %dma_start3A_542 = arith.constant 0 : i32
      %dma_start3A_543 = arith.constant 0 : i32
      %dma_start3A_544 = tpu.memref_slice %arg4[%add3A_539, %dma_start3A_542, %dma_start3A_543] : memref<4096x336x64xf32, #tpu.memory_space<hbm>> -> memref<1x336x64xf32, #tpu.memory_space<hbm>>
      %dma_start3A_545 = tpu.memref_squeeze %dma_start3A_544 : memref<1x336x64xf32, #tpu.memory_space<hbm>> -> memref<336x64xf32, #tpu.memory_space<hbm>>
      %dma_start3A_546 = arith.constant 0 : i32
      %dma_start3A_547 = arith.constant 0 : i32
      %dma_start3A_548 = tpu.memref_slice %arg4[%add3A_539, %dma_start3A_546, %dma_start3A_547] : memref<4096x336x64xf32, #tpu.memory_space<hbm>> -> memref<1x336x64xf32, #tpu.memory_space<hbm>>
      %dma_start3A_549 = tpu.memref_squeeze %dma_start3A_548 : memref<1x336x64xf32, #tpu.memory_space<hbm>> -> memref<336x64xf32, #tpu.memory_space<hbm>>
      %dma_start3A_550 = arith.constant 0 : i32
      %dma_start3A_551 = tpu.memref_slice %arg5[%squeeze3A_534, %dma_start3A_550] : memref<504x64xf32, #tpu.memory_space<vmem>> -> memref<336x64xf32, #tpu.memory_space<vmem>>
      tpu.enqueue_dma source(%dma_start3A_551 : memref<336x64xf32, #tpu.memory_space<vmem>>) target(%dma_start3A_549 : memref<336x64xf32, #tpu.memory_space<hbm>>) target_semaphore(%arg8 : memref<!tpu.dma_semaphore, #tpu.memory_space<semaphore_mem>>)
      %slice3A_552 = vector.extract_strided_slice %get3A_306 {offsets = [13], sizes = [1], strides = [1]} : vector<16xi32> to vector<1xi32>
      %squeeze3A_553 = vector.extract %slice3A_552[0] : i32 from vector<1xi32>
      %mul3A_554 = arith.constant 16 : i32
      %mul3A_555 = arith.muli %scan3A_302, %mul3A_554 : i32
      %add3A_556 = arith.addi %mul3A_2, %mul3A_555 : i32
      %add3A_557 = arith.constant 13 : i32
      %add3A_558 = arith.addi %add3A_556, %add3A_557 : i32
      %dma_start3A_559 = arith.constant 0 : i32
      %dma_start3A_560 = tpu.memref_slice %arg5[%squeeze3A_553, %dma_start3A_559] : memref<504x64xf32, #tpu.memory_space<vmem>> -> memref<336x64xf32, #tpu.memory_space<vmem>>
      %dma_start3A_561 = arith.constant 0 : i32
      %dma_start3A_562 = arith.constant 0 : i32
      %dma_start3A_563 = tpu.memref_slice %arg4[%add3A_558, %dma_start3A_561, %dma_start3A_562] : memref<4096x336x64xf32, #tpu.memory_space<hbm>> -> memref<1x336x64xf32, #tpu.memory_space<hbm>>
      %dma_start3A_564 = tpu.memref_squeeze %dma_start3A_563 : memref<1x336x64xf32, #tpu.memory_space<hbm>> -> memref<336x64xf32, #tpu.memory_space<hbm>>
      %dma_start3A_565 = arith.constant 0 : i32
      %dma_start3A_566 = arith.constant 0 : i32
      %dma_start3A_567 = tpu.memref_slice %arg4[%add3A_558, %dma_start3A_565, %dma_start3A_566] : memref<4096x336x64xf32, #tpu.memory_space<hbm>> -> memref<1x336x64xf32, #tpu.memory_space<hbm>>
      %dma_start3A_568 = tpu.memref_squeeze %dma_start3A_567 : memref<1x336x64xf32, #tpu.memory_space<hbm>> -> memref<336x64xf32, #tpu.memory_space<hbm>>
      %dma_start3A_569 = arith.constant 0 : i32
      %dma_start3A_570 = tpu.memref_slice %arg5[%squeeze3A_553, %dma_start3A_569] : memref<504x64xf32, #tpu.memory_space<vmem>> -> memref<336x64xf32, #tpu.memory_space<vmem>>
      tpu.enqueue_dma source(%dma_start3A_570 : memref<336x64xf32, #tpu.memory_space<vmem>>) target(%dma_start3A_568 : memref<336x64xf32, #tpu.memory_space<hbm>>) target_semaphore(%arg8 : memref<!tpu.dma_semaphore, #tpu.memory_space<semaphore_mem>>)
      %slice3A_571 = vector.extract_strided_slice %get3A_306 {offsets = [14], sizes = [1], strides = [1]} : vector<16xi32> to vector<1xi32>
      %squeeze3A_572 = vector.extract %slice3A_571[0] : i32 from vector<1xi32>
      %mul3A_573 = arith.constant 16 : i32
      %mul3A_574 = arith.muli %scan3A_302, %mul3A_573 : i32
      %add3A_575 = arith.addi %mul3A_2, %mul3A_574 : i32
      %add3A_576 = arith.constant 14 : i32
      %add3A_577 = arith.addi %add3A_575, %add3A_576 : i32
      %dma_start3A_578 = arith.constant 0 : i32
      %dma_start3A_579 = tpu.memref_slice %arg5[%squeeze3A_572, %dma_start3A_578] : memref<504x64xf32, #tpu.memory_space<vmem>> -> memref<336x64xf32, #tpu.memory_space<vmem>>
      %dma_start3A_580 = arith.constant 0 : i32
      %dma_start3A_581 = arith.constant 0 : i32
      %dma_start3A_582 = tpu.memref_slice %arg4[%add3A_577, %dma_start3A_580, %dma_start3A_581] : memref<4096x336x64xf32, #tpu.memory_space<hbm>> -> memref<1x336x64xf32, #tpu.memory_space<hbm>>
      %dma_start3A_583 = tpu.memref_squeeze %dma_start3A_582 : memref<1x336x64xf32, #tpu.memory_space<hbm>> -> memref<336x64xf32, #tpu.memory_space<hbm>>
      %dma_start3A_584 = arith.constant 0 : i32
      %dma_start3A_585 = arith.constant 0 : i32
      %dma_start3A_586 = tpu.memref_slice %arg4[%add3A_577, %dma_start3A_584, %dma_start3A_585] : memref<4096x336x64xf32, #tpu.memory_space<hbm>> -> memref<1x336x64xf32, #tpu.memory_space<hbm>>
      %dma_start3A_587 = tpu.memref_squeeze %dma_start3A_586 : memref<1x336x64xf32, #tpu.memory_space<hbm>> -> memref<336x64xf32, #tpu.memory_space<hbm>>
      %dma_start3A_588 = arith.constant 0 : i32
      %dma_start3A_589 = tpu.memref_slice %arg5[%squeeze3A_572, %dma_start3A_588] : memref<504x64xf32, #tpu.memory_space<vmem>> -> memref<336x64xf32, #tpu.memory_space<vmem>>
      tpu.enqueue_dma source(%dma_start3A_589 : memref<336x64xf32, #tpu.memory_space<vmem>>) target(%dma_start3A_587 : memref<336x64xf32, #tpu.memory_space<hbm>>) target_semaphore(%arg8 : memref<!tpu.dma_semaphore, #tpu.memory_space<semaphore_mem>>)
      %slice3A_590 = vector.extract_strided_slice %get3A_306 {offsets = [15], sizes = [1], strides = [1]} : vector<16xi32> to vector<1xi32>
      %squeeze3A_591 = vector.extract %slice3A_590[0] : i32 from vector<1xi32>
      %mul3A_592 = arith.constant 16 : i32
      %mul3A_593 = arith.muli %scan3A_302, %mul3A_592 : i32
      %add3A_594 = arith.addi %mul3A_2, %mul3A_593 : i32
      %add3A_595 = arith.constant 15 : i32
      %add3A_596 = arith.addi %add3A_594, %add3A_595 : i32
      %dma_start3A_597 = arith.constant 0 : i32
      %dma_start3A_598 = tpu.memref_slice %arg5[%squeeze3A_591, %dma_start3A_597] : memref<504x64xf32, #tpu.memory_space<vmem>> -> memref<336x64xf32, #tpu.memory_space<vmem>>
      %dma_start3A_599 = arith.constant 0 : i32
      %dma_start3A_600 = arith.constant 0 : i32
      %dma_start3A_601 = tpu.memref_slice %arg4[%add3A_596, %dma_start3A_599, %dma_start3A_600] : memref<4096x336x64xf32, #tpu.memory_space<hbm>> -> memref<1x336x64xf32, #tpu.memory_space<hbm>>
      %dma_start3A_602 = tpu.memref_squeeze %dma_start3A_601 : memref<1x336x64xf32, #tpu.memory_space<hbm>> -> memref<336x64xf32, #tpu.memory_space<hbm>>
      %dma_start3A_603 = arith.constant 0 : i32
      %dma_start3A_604 = arith.constant 0 : i32
      %dma_start3A_605 = tpu.memref_slice %arg4[%add3A_596, %dma_start3A_603, %dma_start3A_604] : memref<4096x336x64xf32, #tpu.memory_space<hbm>> -> memref<1x336x64xf32, #tpu.memory_space<hbm>>
      %dma_start3A_606 = tpu.memref_squeeze %dma_start3A_605 : memref<1x336x64xf32, #tpu.memory_space<hbm>> -> memref<336x64xf32, #tpu.memory_space<hbm>>
      %dma_start3A_607 = arith.constant 0 : i32
      %dma_start3A_608 = tpu.memref_slice %arg5[%squeeze3A_591, %dma_start3A_607] : memref<504x64xf32, #tpu.memory_space<vmem>> -> memref<336x64xf32, #tpu.memory_space<vmem>>
      tpu.enqueue_dma source(%dma_start3A_608 : memref<336x64xf32, #tpu.memory_space<vmem>>) target(%dma_start3A_606 : memref<336x64xf32, #tpu.memory_space<hbm>>) target_semaphore(%arg8 : memref<!tpu.dma_semaphore, #tpu.memory_space<semaphore_mem>>)
      %gt3A = arith.constant 0 : i32
      %gt3A_609 = arith.cmpi sgt, %scan3A_302, %gt3A : i32
      %convert_element_type3A = arith.extui %gt3A_609 : i1 to i32
      %cond3A = arith.constant 0 : i32
      %cond3A_610 = arith.cmpi ne, %convert_element_type3A, %cond3A : i32
      scf.if %cond3A_610 {
        %add3A_611 = arith.constant 0 : i32
        %add3A_612 = arith.addi %mul3A_2, %add3A_611 : i32
        %dma_wait3A_613 = arith.constant 0 : i32
        %dma_wait3A_614 = arith.constant 0 : i32
        %dma_wait3A_615 = tpu.memref_slice %arg5[%dma_wait3A_613, %dma_wait3A_614] : memref<504x64xf32, #tpu.memory_space<vmem>> -> memref<336x64xf32, #tpu.memory_space<vmem>>
        %dma_wait3A_616 = arith.constant 0 : i32
        %dma_wait3A_617 = arith.constant 0 : i32
        %dma_wait3A_618 = tpu.memref_slice %arg4[%add3A_612, %dma_wait3A_616, %dma_wait3A_617] : memref<4096x336x64xf32, #tpu.memory_space<hbm>> -> memref<1x336x64xf32, #tpu.memory_space<hbm>>
        %dma_wait3A_619 = tpu.memref_squeeze %dma_wait3A_618 : memref<1x336x64xf32, #tpu.memory_space<hbm>> -> memref<336x64xf32, #tpu.memory_space<hbm>>
        %dma_wait3A_620 = arith.constant 0 : i32
        %dma_wait3A_621 = arith.constant 0 : i32
        %dma_wait3A_622 = tpu.memref_slice %arg4[%add3A_612, %dma_wait3A_620, %dma_wait3A_621] : memref<4096x336x64xf32, #tpu.memory_space<hbm>> -> memref<1x336x64xf32, #tpu.memory_space<hbm>>
        %dma_wait3A_623 = tpu.memref_squeeze %dma_wait3A_622 : memref<1x336x64xf32, #tpu.memory_space<hbm>> -> memref<336x64xf32, #tpu.memory_space<hbm>>
        %dma_wait3A_624 = arith.constant 0 : i32
        %dma_wait3A_625 = arith.constant 0 : i32
        %dma_wait3A_626 = tpu.memref_slice %arg5[%dma_wait3A_624, %dma_wait3A_625] : memref<504x64xf32, #tpu.memory_space<vmem>> -> memref<336x64xf32, #tpu.memory_space<vmem>>
        tpu.wait_dma2 semaphore(%arg8 : memref<!tpu.dma_semaphore, #tpu.memory_space<semaphore_mem>>) src(%dma_wait3A_626 : memref<336x64xf32, #tpu.memory_space<vmem>>) dst(%dma_wait3A_623 : memref<336x64xf32, #tpu.memory_space<hbm>>)
        %add3A_627 = arith.constant 1 : i32
        %add3A_628 = arith.addi %mul3A_2, %add3A_627 : i32
        %dma_wait3A_629 = arith.constant 0 : i32
        %dma_wait3A_630 = arith.constant 0 : i32
        %dma_wait3A_631 = tpu.memref_slice %arg5[%dma_wait3A_629, %dma_wait3A_630] : memref<504x64xf32, #tpu.memory_space<vmem>> -> memref<336x64xf32, #tpu.memory_space<vmem>>
        %dma_wait3A_632 = arith.constant 0 : i32
        %dma_wait3A_633 = arith.constant 0 : i32
        %dma_wait3A_634 = tpu.memref_slice %arg4[%add3A_628, %dma_wait3A_632, %dma_wait3A_633] : memref<4096x336x64xf32, #tpu.memory_space<hbm>> -> memref<1x336x64xf32, #tpu.memory_space<hbm>>
        %dma_wait3A_635 = tpu.memref_squeeze %dma_wait3A_634 : memref<1x336x64xf32, #tpu.memory_space<hbm>> -> memref<336x64xf32, #tpu.memory_space<hbm>>
        %dma_wait3A_636 = arith.constant 0 : i32
        %dma_wait3A_637 = arith.constant 0 : i32
        %dma_wait3A_638 = tpu.memref_slice %arg4[%add3A_628, %dma_wait3A_636, %dma_wait3A_637] : memref<4096x336x64xf32, #tpu.memory_space<hbm>> -> memref<1x336x64xf32, #tpu.memory_space<hbm>>
        %dma_wait3A_639 = tpu.memref_squeeze %dma_wait3A_638 : memref<1x336x64xf32, #tpu.memory_space<hbm>> -> memref<336x64xf32, #tpu.memory_space<hbm>>
        %dma_wait3A_640 = arith.constant 0 : i32
        %dma_wait3A_641 = arith.constant 0 : i32
        %dma_wait3A_642 = tpu.memref_slice %arg5[%dma_wait3A_640, %dma_wait3A_641] : memref<504x64xf32, #tpu.memory_space<vmem>> -> memref<336x64xf32, #tpu.memory_space<vmem>>
        tpu.wait_dma2 semaphore(%arg8 : memref<!tpu.dma_semaphore, #tpu.memory_space<semaphore_mem>>) src(%dma_wait3A_642 : memref<336x64xf32, #tpu.memory_space<vmem>>) dst(%dma_wait3A_639 : memref<336x64xf32, #tpu.memory_space<hbm>>)
        %add3A_643 = arith.constant 2 : i32
        %add3A_644 = arith.addi %mul3A_2, %add3A_643 : i32
        %dma_wait3A_645 = arith.constant 0 : i32
        %dma_wait3A_646 = arith.constant 0 : i32
        %dma_wait3A_647 = tpu.memref_slice %arg5[%dma_wait3A_645, %dma_wait3A_646] : memref<504x64xf32, #tpu.memory_space<vmem>> -> memref<336x64xf32, #tpu.memory_space<vmem>>
        %dma_wait3A_648 = arith.constant 0 : i32
        %dma_wait3A_649 = arith.constant 0 : i32
        %dma_wait3A_650 = tpu.memref_slice %arg4[%add3A_644, %dma_wait3A_648, %dma_wait3A_649] : memref<4096x336x64xf32, #tpu.memory_space<hbm>> -> memref<1x336x64xf32, #tpu.memory_space<hbm>>
        %dma_wait3A_651 = tpu.memref_squeeze %dma_wait3A_650 : memref<1x336x64xf32, #tpu.memory_space<hbm>> -> memref<336x64xf32, #tpu.memory_space<hbm>>
        %dma_wait3A_652 = arith.constant 0 : i32
        %dma_wait3A_653 = arith.constant 0 : i32
        %dma_wait3A_654 = tpu.memref_slice %arg4[%add3A_644, %dma_wait3A_652, %dma_wait3A_653] : memref<4096x336x64xf32, #tpu.memory_space<hbm>> -> memref<1x336x64xf32, #tpu.memory_space<hbm>>
        %dma_wait3A_655 = tpu.memref_squeeze %dma_wait3A_654 : memref<1x336x64xf32, #tpu.memory_space<hbm>> -> memref<336x64xf32, #tpu.memory_space<hbm>>
        %dma_wait3A_656 = arith.constant 0 : i32
        %dma_wait3A_657 = arith.constant 0 : i32
        %dma_wait3A_658 = tpu.memref_slice %arg5[%dma_wait3A_656, %dma_wait3A_657] : memref<504x64xf32, #tpu.memory_space<vmem>> -> memref<336x64xf32, #tpu.memory_space<vmem>>
        tpu.wait_dma2 semaphore(%arg8 : memref<!tpu.dma_semaphore, #tpu.memory_space<semaphore_mem>>) src(%dma_wait3A_658 : memref<336x64xf32, #tpu.memory_space<vmem>>) dst(%dma_wait3A_655 : memref<336x64xf32, #tpu.memory_space<hbm>>)
        %add3A_659 = arith.constant 3 : i32
        %add3A_660 = arith.addi %mul3A_2, %add3A_659 : i32
        %dma_wait3A_661 = arith.constant 0 : i32
        %dma_wait3A_662 = arith.constant 0 : i32
        %dma_wait3A_663 = tpu.memref_slice %arg5[%dma_wait3A_661, %dma_wait3A_662] : memref<504x64xf32, #tpu.memory_space<vmem>> -> memref<336x64xf32, #tpu.memory_space<vmem>>
        %dma_wait3A_664 = arith.constant 0 : i32
        %dma_wait3A_665 = arith.constant 0 : i32
        %dma_wait3A_666 = tpu.memref_slice %arg4[%add3A_660, %dma_wait3A_664, %dma_wait3A_665] : memref<4096x336x64xf32, #tpu.memory_space<hbm>> -> memref<1x336x64xf32, #tpu.memory_space<hbm>>
        %dma_wait3A_667 = tpu.memref_squeeze %dma_wait3A_666 : memref<1x336x64xf32, #tpu.memory_space<hbm>> -> memref<336x64xf32, #tpu.memory_space<hbm>>
        %dma_wait3A_668 = arith.constant 0 : i32
        %dma_wait3A_669 = arith.constant 0 : i32
        %dma_wait3A_670 = tpu.memref_slice %arg4[%add3A_660, %dma_wait3A_668, %dma_wait3A_669] : memref<4096x336x64xf32, #tpu.memory_space<hbm>> -> memref<1x336x64xf32, #tpu.memory_space<hbm>>
        %dma_wait3A_671 = tpu.memref_squeeze %dma_wait3A_670 : memref<1x336x64xf32, #tpu.memory_space<hbm>> -> memref<336x64xf32, #tpu.memory_space<hbm>>
        %dma_wait3A_672 = arith.constant 0 : i32
        %dma_wait3A_673 = arith.constant 0 : i32
        %dma_wait3A_674 = tpu.memref_slice %arg5[%dma_wait3A_672, %dma_wait3A_673] : memref<504x64xf32, #tpu.memory_space<vmem>> -> memref<336x64xf32, #tpu.memory_space<vmem>>
        tpu.wait_dma2 semaphore(%arg8 : memref<!tpu.dma_semaphore, #tpu.memory_space<semaphore_mem>>) src(%dma_wait3A_674 : memref<336x64xf32, #tpu.memory_space<vmem>>) dst(%dma_wait3A_671 : memref<336x64xf32, #tpu.memory_space<hbm>>)
        %add3A_675 = arith.constant 4 : i32
        %add3A_676 = arith.addi %mul3A_2, %add3A_675 : i32
        %dma_wait3A_677 = arith.constant 0 : i32
        %dma_wait3A_678 = arith.constant 0 : i32
        %dma_wait3A_679 = tpu.memref_slice %arg5[%dma_wait3A_677, %dma_wait3A_678] : memref<504x64xf32, #tpu.memory_space<vmem>> -> memref<336x64xf32, #tpu.memory_space<vmem>>
        %dma_wait3A_680 = arith.constant 0 : i32
        %dma_wait3A_681 = arith.constant 0 : i32
        %dma_wait3A_682 = tpu.memref_slice %arg4[%add3A_676, %dma_wait3A_680, %dma_wait3A_681] : memref<4096x336x64xf32, #tpu.memory_space<hbm>> -> memref<1x336x64xf32, #tpu.memory_space<hbm>>
        %dma_wait3A_683 = tpu.memref_squeeze %dma_wait3A_682 : memref<1x336x64xf32, #tpu.memory_space<hbm>> -> memref<336x64xf32, #tpu.memory_space<hbm>>
        %dma_wait3A_684 = arith.constant 0 : i32
        %dma_wait3A_685 = arith.constant 0 : i32
        %dma_wait3A_686 = tpu.memref_slice %arg4[%add3A_676, %dma_wait3A_684, %dma_wait3A_685] : memref<4096x336x64xf32, #tpu.memory_space<hbm>> -> memref<1x336x64xf32, #tpu.memory_space<hbm>>
        %dma_wait3A_687 = tpu.memref_squeeze %dma_wait3A_686 : memref<1x336x64xf32, #tpu.memory_space<hbm>> -> memref<336x64xf32, #tpu.memory_space<hbm>>
        %dma_wait3A_688 = arith.constant 0 : i32
        %dma_wait3A_689 = arith.constant 0 : i32
        %dma_wait3A_690 = tpu.memref_slice %arg5[%dma_wait3A_688, %dma_wait3A_689] : memref<504x64xf32, #tpu.memory_space<vmem>> -> memref<336x64xf32, #tpu.memory_space<vmem>>
        tpu.wait_dma2 semaphore(%arg8 : memref<!tpu.dma_semaphore, #tpu.memory_space<semaphore_mem>>) src(%dma_wait3A_690 : memref<336x64xf32, #tpu.memory_space<vmem>>) dst(%dma_wait3A_687 : memref<336x64xf32, #tpu.memory_space<hbm>>)
        %add3A_691 = arith.constant 5 : i32
        %add3A_692 = arith.addi %mul3A_2, %add3A_691 : i32
        %dma_wait3A_693 = arith.constant 0 : i32
        %dma_wait3A_694 = arith.constant 0 : i32
        %dma_wait3A_695 = tpu.memref_slice %arg5[%dma_wait3A_693, %dma_wait3A_694] : memref<504x64xf32, #tpu.memory_space<vmem>> -> memref<336x64xf32, #tpu.memory_space<vmem>>
        %dma_wait3A_696 = arith.constant 0 : i32
        %dma_wait3A_697 = arith.constant 0 : i32
        %dma_wait3A_698 = tpu.memref_slice %arg4[%add3A_692, %dma_wait3A_696, %dma_wait3A_697] : memref<4096x336x64xf32, #tpu.memory_space<hbm>> -> memref<1x336x64xf32, #tpu.memory_space<hbm>>
        %dma_wait3A_699 = tpu.memref_squeeze %dma_wait3A_698 : memref<1x336x64xf32, #tpu.memory_space<hbm>> -> memref<336x64xf32, #tpu.memory_space<hbm>>
        %dma_wait3A_700 = arith.constant 0 : i32
        %dma_wait3A_701 = arith.constant 0 : i32
        %dma_wait3A_702 = tpu.memref_slice %arg4[%add3A_692, %dma_wait3A_700, %dma_wait3A_701] : memref<4096x336x64xf32, #tpu.memory_space<hbm>> -> memref<1x336x64xf32, #tpu.memory_space<hbm>>
        %dma_wait3A_703 = tpu.memref_squeeze %dma_wait3A_702 : memref<1x336x64xf32, #tpu.memory_space<hbm>> -> memref<336x64xf32, #tpu.memory_space<hbm>>
        %dma_wait3A_704 = arith.constant 0 : i32
        %dma_wait3A_705 = arith.constant 0 : i32
        %dma_wait3A_706 = tpu.memref_slice %arg5[%dma_wait3A_704, %dma_wait3A_705] : memref<504x64xf32, #tpu.memory_space<vmem>> -> memref<336x64xf32, #tpu.memory_space<vmem>>
        tpu.wait_dma2 semaphore(%arg8 : memref<!tpu.dma_semaphore, #tpu.memory_space<semaphore_mem>>) src(%dma_wait3A_706 : memref<336x64xf32, #tpu.memory_space<vmem>>) dst(%dma_wait3A_703 : memref<336x64xf32, #tpu.memory_space<hbm>>)
        %add3A_707 = arith.constant 6 : i32
        %add3A_708 = arith.addi %mul3A_2, %add3A_707 : i32
        %dma_wait3A_709 = arith.constant 0 : i32
        %dma_wait3A_710 = arith.constant 0 : i32
        %dma_wait3A_711 = tpu.memref_slice %arg5[%dma_wait3A_709, %dma_wait3A_710] : memref<504x64xf32, #tpu.memory_space<vmem>> -> memref<336x64xf32, #tpu.memory_space<vmem>>
        %dma_wait3A_712 = arith.constant 0 : i32
        %dma_wait3A_713 = arith.constant 0 : i32
        %dma_wait3A_714 = tpu.memref_slice %arg4[%add3A_708, %dma_wait3A_712, %dma_wait3A_713] : memref<4096x336x64xf32, #tpu.memory_space<hbm>> -> memref<1x336x64xf32, #tpu.memory_space<hbm>>
        %dma_wait3A_715 = tpu.memref_squeeze %dma_wait3A_714 : memref<1x336x64xf32, #tpu.memory_space<hbm>> -> memref<336x64xf32, #tpu.memory_space<hbm>>
        %dma_wait3A_716 = arith.constant 0 : i32
        %dma_wait3A_717 = arith.constant 0 : i32
        %dma_wait3A_718 = tpu.memref_slice %arg4[%add3A_708, %dma_wait3A_716, %dma_wait3A_717] : memref<4096x336x64xf32, #tpu.memory_space<hbm>> -> memref<1x336x64xf32, #tpu.memory_space<hbm>>
        %dma_wait3A_719 = tpu.memref_squeeze %dma_wait3A_718 : memref<1x336x64xf32, #tpu.memory_space<hbm>> -> memref<336x64xf32, #tpu.memory_space<hbm>>
        %dma_wait3A_720 = arith.constant 0 : i32
        %dma_wait3A_721 = arith.constant 0 : i32
        %dma_wait3A_722 = tpu.memref_slice %arg5[%dma_wait3A_720, %dma_wait3A_721] : memref<504x64xf32, #tpu.memory_space<vmem>> -> memref<336x64xf32, #tpu.memory_space<vmem>>
        tpu.wait_dma2 semaphore(%arg8 : memref<!tpu.dma_semaphore, #tpu.memory_space<semaphore_mem>>) src(%dma_wait3A_722 : memref<336x64xf32, #tpu.memory_space<vmem>>) dst(%dma_wait3A_719 : memref<336x64xf32, #tpu.memory_space<hbm>>)
        %add3A_723 = arith.constant 7 : i32
        %add3A_724 = arith.addi %mul3A_2, %add3A_723 : i32
        %dma_wait3A_725 = arith.constant 0 : i32
        %dma_wait3A_726 = arith.constant 0 : i32
        %dma_wait3A_727 = tpu.memref_slice %arg5[%dma_wait3A_725, %dma_wait3A_726] : memref<504x64xf32, #tpu.memory_space<vmem>> -> memref<336x64xf32, #tpu.memory_space<vmem>>
        %dma_wait3A_728 = arith.constant 0 : i32
        %dma_wait3A_729 = arith.constant 0 : i32
        %dma_wait3A_730 = tpu.memref_slice %arg4[%add3A_724, %dma_wait3A_728, %dma_wait3A_729] : memref<4096x336x64xf32, #tpu.memory_space<hbm>> -> memref<1x336x64xf32, #tpu.memory_space<hbm>>
        %dma_wait3A_731 = tpu.memref_squeeze %dma_wait3A_730 : memref<1x336x64xf32, #tpu.memory_space<hbm>> -> memref<336x64xf32, #tpu.memory_space<hbm>>
        %dma_wait3A_732 = arith.constant 0 : i32
        %dma_wait3A_733 = arith.constant 0 : i32
        %dma_wait3A_734 = tpu.memref_slice %arg4[%add3A_724, %dma_wait3A_732, %dma_wait3A_733] : memref<4096x336x64xf32, #tpu.memory_space<hbm>> -> memref<1x336x64xf32, #tpu.memory_space<hbm>>
        %dma_wait3A_735 = tpu.memref_squeeze %dma_wait3A_734 : memref<1x336x64xf32, #tpu.memory_space<hbm>> -> memref<336x64xf32, #tpu.memory_space<hbm>>
        %dma_wait3A_736 = arith.constant 0 : i32
        %dma_wait3A_737 = arith.constant 0 : i32
        %dma_wait3A_738 = tpu.memref_slice %arg5[%dma_wait3A_736, %dma_wait3A_737] : memref<504x64xf32, #tpu.memory_space<vmem>> -> memref<336x64xf32, #tpu.memory_space<vmem>>
        tpu.wait_dma2 semaphore(%arg8 : memref<!tpu.dma_semaphore, #tpu.memory_space<semaphore_mem>>) src(%dma_wait3A_738 : memref<336x64xf32, #tpu.memory_space<vmem>>) dst(%dma_wait3A_735 : memref<336x64xf32, #tpu.memory_space<hbm>>)
        %add3A_739 = arith.constant 8 : i32
        %add3A_740 = arith.addi %mul3A_2, %add3A_739 : i32
        %dma_wait3A_741 = arith.constant 0 : i32
        %dma_wait3A_742 = arith.constant 0 : i32
        %dma_wait3A_743 = tpu.memref_slice %arg5[%dma_wait3A_741, %dma_wait3A_742] : memref<504x64xf32, #tpu.memory_space<vmem>> -> memref<336x64xf32, #tpu.memory_space<vmem>>
        %dma_wait3A_744 = arith.constant 0 : i32
        %dma_wait3A_745 = arith.constant 0 : i32
        %dma_wait3A_746 = tpu.memref_slice %arg4[%add3A_740, %dma_wait3A_744, %dma_wait3A_745] : memref<4096x336x64xf32, #tpu.memory_space<hbm>> -> memref<1x336x64xf32, #tpu.memory_space<hbm>>
        %dma_wait3A_747 = tpu.memref_squeeze %dma_wait3A_746 : memref<1x336x64xf32, #tpu.memory_space<hbm>> -> memref<336x64xf32, #tpu.memory_space<hbm>>
        %dma_wait3A_748 = arith.constant 0 : i32
        %dma_wait3A_749 = arith.constant 0 : i32
        %dma_wait3A_750 = tpu.memref_slice %arg4[%add3A_740, %dma_wait3A_748, %dma_wait3A_749] : memref<4096x336x64xf32, #tpu.memory_space<hbm>> -> memref<1x336x64xf32, #tpu.memory_space<hbm>>
        %dma_wait3A_751 = tpu.memref_squeeze %dma_wait3A_750 : memref<1x336x64xf32, #tpu.memory_space<hbm>> -> memref<336x64xf32, #tpu.memory_space<hbm>>
        %dma_wait3A_752 = arith.constant 0 : i32
        %dma_wait3A_753 = arith.constant 0 : i32
        %dma_wait3A_754 = tpu.memref_slice %arg5[%dma_wait3A_752, %dma_wait3A_753] : memref<504x64xf32, #tpu.memory_space<vmem>> -> memref<336x64xf32, #tpu.memory_space<vmem>>
        tpu.wait_dma2 semaphore(%arg8 : memref<!tpu.dma_semaphore, #tpu.memory_space<semaphore_mem>>) src(%dma_wait3A_754 : memref<336x64xf32, #tpu.memory_space<vmem>>) dst(%dma_wait3A_751 : memref<336x64xf32, #tpu.memory_space<hbm>>)
        %add3A_755 = arith.constant 9 : i32
        %add3A_756 = arith.addi %mul3A_2, %add3A_755 : i32
        %dma_wait3A_757 = arith.constant 0 : i32
        %dma_wait3A_758 = arith.constant 0 : i32
        %dma_wait3A_759 = tpu.memref_slice %arg5[%dma_wait3A_757, %dma_wait3A_758] : memref<504x64xf32, #tpu.memory_space<vmem>> -> memref<336x64xf32, #tpu.memory_space<vmem>>
        %dma_wait3A_760 = arith.constant 0 : i32
        %dma_wait3A_761 = arith.constant 0 : i32
        %dma_wait3A_762 = tpu.memref_slice %arg4[%add3A_756, %dma_wait3A_760, %dma_wait3A_761] : memref<4096x336x64xf32, #tpu.memory_space<hbm>> -> memref<1x336x64xf32, #tpu.memory_space<hbm>>
        %dma_wait3A_763 = tpu.memref_squeeze %dma_wait3A_762 : memref<1x336x64xf32, #tpu.memory_space<hbm>> -> memref<336x64xf32, #tpu.memory_space<hbm>>
        %dma_wait3A_764 = arith.constant 0 : i32
        %dma_wait3A_765 = arith.constant 0 : i32
        %dma_wait3A_766 = tpu.memref_slice %arg4[%add3A_756, %dma_wait3A_764, %dma_wait3A_765] : memref<4096x336x64xf32, #tpu.memory_space<hbm>> -> memref<1x336x64xf32, #tpu.memory_space<hbm>>
        %dma_wait3A_767 = tpu.memref_squeeze %dma_wait3A_766 : memref<1x336x64xf32, #tpu.memory_space<hbm>> -> memref<336x64xf32, #tpu.memory_space<hbm>>
        %dma_wait3A_768 = arith.constant 0 : i32
        %dma_wait3A_769 = arith.constant 0 : i32
        %dma_wait3A_770 = tpu.memref_slice %arg5[%dma_wait3A_768, %dma_wait3A_769] : memref<504x64xf32, #tpu.memory_space<vmem>> -> memref<336x64xf32, #tpu.memory_space<vmem>>
        tpu.wait_dma2 semaphore(%arg8 : memref<!tpu.dma_semaphore, #tpu.memory_space<semaphore_mem>>) src(%dma_wait3A_770 : memref<336x64xf32, #tpu.memory_space<vmem>>) dst(%dma_wait3A_767 : memref<336x64xf32, #tpu.memory_space<hbm>>)
        %add3A_771 = arith.constant 10 : i32
        %add3A_772 = arith.addi %mul3A_2, %add3A_771 : i32
        %dma_wait3A_773 = arith.constant 0 : i32
        %dma_wait3A_774 = arith.constant 0 : i32
        %dma_wait3A_775 = tpu.memref_slice %arg5[%dma_wait3A_773, %dma_wait3A_774] : memref<504x64xf32, #tpu.memory_space<vmem>> -> memref<336x64xf32, #tpu.memory_space<vmem>>
        %dma_wait3A_776 = arith.constant 0 : i32
        %dma_wait3A_777 = arith.constant 0 : i32
        %dma_wait3A_778 = tpu.memref_slice %arg4[%add3A_772, %dma_wait3A_776, %dma_wait3A_777] : memref<4096x336x64xf32, #tpu.memory_space<hbm>> -> memref<1x336x64xf32, #tpu.memory_space<hbm>>
        %dma_wait3A_779 = tpu.memref_squeeze %dma_wait3A_778 : memref<1x336x64xf32, #tpu.memory_space<hbm>> -> memref<336x64xf32, #tpu.memory_space<hbm>>
        %dma_wait3A_780 = arith.constant 0 : i32
        %dma_wait3A_781 = arith.constant 0 : i32
        %dma_wait3A_782 = tpu.memref_slice %arg4[%add3A_772, %dma_wait3A_780, %dma_wait3A_781] : memref<4096x336x64xf32, #tpu.memory_space<hbm>> -> memref<1x336x64xf32, #tpu.memory_space<hbm>>
        %dma_wait3A_783 = tpu.memref_squeeze %dma_wait3A_782 : memref<1x336x64xf32, #tpu.memory_space<hbm>> -> memref<336x64xf32, #tpu.memory_space<hbm>>
        %dma_wait3A_784 = arith.constant 0 : i32
        %dma_wait3A_785 = arith.constant 0 : i32
        %dma_wait3A_786 = tpu.memref_slice %arg5[%dma_wait3A_784, %dma_wait3A_785] : memref<504x64xf32, #tpu.memory_space<vmem>> -> memref<336x64xf32, #tpu.memory_space<vmem>>
        tpu.wait_dma2 semaphore(%arg8 : memref<!tpu.dma_semaphore, #tpu.memory_space<semaphore_mem>>) src(%dma_wait3A_786 : memref<336x64xf32, #tpu.memory_space<vmem>>) dst(%dma_wait3A_783 : memref<336x64xf32, #tpu.memory_space<hbm>>)
        %add3A_787 = arith.constant 11 : i32
        %add3A_788 = arith.addi %mul3A_2, %add3A_787 : i32
        %dma_wait3A_789 = arith.constant 0 : i32
        %dma_wait3A_790 = arith.constant 0 : i32
        %dma_wait3A_791 = tpu.memref_slice %arg5[%dma_wait3A_789, %dma_wait3A_790] : memref<504x64xf32, #tpu.memory_space<vmem>> -> memref<336x64xf32, #tpu.memory_space<vmem>>
        %dma_wait3A_792 = arith.constant 0 : i32
        %dma_wait3A_793 = arith.constant 0 : i32
        %dma_wait3A_794 = tpu.memref_slice %arg4[%add3A_788, %dma_wait3A_792, %dma_wait3A_793] : memref<4096x336x64xf32, #tpu.memory_space<hbm>> -> memref<1x336x64xf32, #tpu.memory_space<hbm>>
        %dma_wait3A_795 = tpu.memref_squeeze %dma_wait3A_794 : memref<1x336x64xf32, #tpu.memory_space<hbm>> -> memref<336x64xf32, #tpu.memory_space<hbm>>
        %dma_wait3A_796 = arith.constant 0 : i32
        %dma_wait3A_797 = arith.constant 0 : i32
        %dma_wait3A_798 = tpu.memref_slice %arg4[%add3A_788, %dma_wait3A_796, %dma_wait3A_797] : memref<4096x336x64xf32, #tpu.memory_space<hbm>> -> memref<1x336x64xf32, #tpu.memory_space<hbm>>
        %dma_wait3A_799 = tpu.memref_squeeze %dma_wait3A_798 : memref<1x336x64xf32, #tpu.memory_space<hbm>> -> memref<336x64xf32, #tpu.memory_space<hbm>>
        %dma_wait3A_800 = arith.constant 0 : i32
        %dma_wait3A_801 = arith.constant 0 : i32
        %dma_wait3A_802 = tpu.memref_slice %arg5[%dma_wait3A_800, %dma_wait3A_801] : memref<504x64xf32, #tpu.memory_space<vmem>> -> memref<336x64xf32, #tpu.memory_space<vmem>>
        tpu.wait_dma2 semaphore(%arg8 : memref<!tpu.dma_semaphore, #tpu.memory_space<semaphore_mem>>) src(%dma_wait3A_802 : memref<336x64xf32, #tpu.memory_space<vmem>>) dst(%dma_wait3A_799 : memref<336x64xf32, #tpu.memory_space<hbm>>)
        %add3A_803 = arith.constant 12 : i32
        %add3A_804 = arith.addi %mul3A_2, %add3A_803 : i32
        %dma_wait3A_805 = arith.constant 0 : i32
        %dma_wait3A_806 = arith.constant 0 : i32
        %dma_wait3A_807 = tpu.memref_slice %arg5[%dma_wait3A_805, %dma_wait3A_806] : memref<504x64xf32, #tpu.memory_space<vmem>> -> memref<336x64xf32, #tpu.memory_space<vmem>>
        %dma_wait3A_808 = arith.constant 0 : i32
        %dma_wait3A_809 = arith.constant 0 : i32
        %dma_wait3A_810 = tpu.memref_slice %arg4[%add3A_804, %dma_wait3A_808, %dma_wait3A_809] : memref<4096x336x64xf32, #tpu.memory_space<hbm>> -> memref<1x336x64xf32, #tpu.memory_space<hbm>>
        %dma_wait3A_811 = tpu.memref_squeeze %dma_wait3A_810 : memref<1x336x64xf32, #tpu.memory_space<hbm>> -> memref<336x64xf32, #tpu.memory_space<hbm>>
        %dma_wait3A_812 = arith.constant 0 : i32
        %dma_wait3A_813 = arith.constant 0 : i32
        %dma_wait3A_814 = tpu.memref_slice %arg4[%add3A_804, %dma_wait3A_812, %dma_wait3A_813] : memref<4096x336x64xf32, #tpu.memory_space<hbm>> -> memref<1x336x64xf32, #tpu.memory_space<hbm>>
        %dma_wait3A_815 = tpu.memref_squeeze %dma_wait3A_814 : memref<1x336x64xf32, #tpu.memory_space<hbm>> -> memref<336x64xf32, #tpu.memory_space<hbm>>
        %dma_wait3A_816 = arith.constant 0 : i32
        %dma_wait3A_817 = arith.constant 0 : i32
        %dma_wait3A_818 = tpu.memref_slice %arg5[%dma_wait3A_816, %dma_wait3A_817] : memref<504x64xf32, #tpu.memory_space<vmem>> -> memref<336x64xf32, #tpu.memory_space<vmem>>
        tpu.wait_dma2 semaphore(%arg8 : memref<!tpu.dma_semaphore, #tpu.memory_space<semaphore_mem>>) src(%dma_wait3A_818 : memref<336x64xf32, #tpu.memory_space<vmem>>) dst(%dma_wait3A_815 : memref<336x64xf32, #tpu.memory_space<hbm>>)
        %add3A_819 = arith.constant 13 : i32
        %add3A_820 = arith.addi %mul3A_2, %add3A_819 : i32
        %dma_wait3A_821 = arith.constant 0 : i32
        %dma_wait3A_822 = arith.constant 0 : i32
        %dma_wait3A_823 = tpu.memref_slice %arg5[%dma_wait3A_821, %dma_wait3A_822] : memref<504x64xf32, #tpu.memory_space<vmem>> -> memref<336x64xf32, #tpu.memory_space<vmem>>
        %dma_wait3A_824 = arith.constant 0 : i32
        %dma_wait3A_825 = arith.constant 0 : i32
        %dma_wait3A_826 = tpu.memref_slice %arg4[%add3A_820, %dma_wait3A_824, %dma_wait3A_825] : memref<4096x336x64xf32, #tpu.memory_space<hbm>> -> memref<1x336x64xf32, #tpu.memory_space<hbm>>
        %dma_wait3A_827 = tpu.memref_squeeze %dma_wait3A_826 : memref<1x336x64xf32, #tpu.memory_space<hbm>> -> memref<336x64xf32, #tpu.memory_space<hbm>>
        %dma_wait3A_828 = arith.constant 0 : i32
        %dma_wait3A_829 = arith.constant 0 : i32
        %dma_wait3A_830 = tpu.memref_slice %arg4[%add3A_820, %dma_wait3A_828, %dma_wait3A_829] : memref<4096x336x64xf32, #tpu.memory_space<hbm>> -> memref<1x336x64xf32, #tpu.memory_space<hbm>>
        %dma_wait3A_831 = tpu.memref_squeeze %dma_wait3A_830 : memref<1x336x64xf32, #tpu.memory_space<hbm>> -> memref<336x64xf32, #tpu.memory_space<hbm>>
        %dma_wait3A_832 = arith.constant 0 : i32
        %dma_wait3A_833 = arith.constant 0 : i32
        %dma_wait3A_834 = tpu.memref_slice %arg5[%dma_wait3A_832, %dma_wait3A_833] : memref<504x64xf32, #tpu.memory_space<vmem>> -> memref<336x64xf32, #tpu.memory_space<vmem>>
        tpu.wait_dma2 semaphore(%arg8 : memref<!tpu.dma_semaphore, #tpu.memory_space<semaphore_mem>>) src(%dma_wait3A_834 : memref<336x64xf32, #tpu.memory_space<vmem>>) dst(%dma_wait3A_831 : memref<336x64xf32, #tpu.memory_space<hbm>>)
        %add3A_835 = arith.constant 14 : i32
        %add3A_836 = arith.addi %mul3A_2, %add3A_835 : i32
        %dma_wait3A_837 = arith.constant 0 : i32
        %dma_wait3A_838 = arith.constant 0 : i32
        %dma_wait3A_839 = tpu.memref_slice %arg5[%dma_wait3A_837, %dma_wait3A_838] : memref<504x64xf32, #tpu.memory_space<vmem>> -> memref<336x64xf32, #tpu.memory_space<vmem>>
        %dma_wait3A_840 = arith.constant 0 : i32
        %dma_wait3A_841 = arith.constant 0 : i32
        %dma_wait3A_842 = tpu.memref_slice %arg4[%add3A_836, %dma_wait3A_840, %dma_wait3A_841] : memref<4096x336x64xf32, #tpu.memory_space<hbm>> -> memref<1x336x64xf32, #tpu.memory_space<hbm>>
        %dma_wait3A_843 = tpu.memref_squeeze %dma_wait3A_842 : memref<1x336x64xf32, #tpu.memory_space<hbm>> -> memref<336x64xf32, #tpu.memory_space<hbm>>
        %dma_wait3A_844 = arith.constant 0 : i32
        %dma_wait3A_845 = arith.constant 0 : i32
        %dma_wait3A_846 = tpu.memref_slice %arg4[%add3A_836, %dma_wait3A_844, %dma_wait3A_845] : memref<4096x336x64xf32, #tpu.memory_space<hbm>> -> memref<1x336x64xf32, #tpu.memory_space<hbm>>
        %dma_wait3A_847 = tpu.memref_squeeze %dma_wait3A_846 : memref<1x336x64xf32, #tpu.memory_space<hbm>> -> memref<336x64xf32, #tpu.memory_space<hbm>>
        %dma_wait3A_848 = arith.constant 0 : i32
        %dma_wait3A_849 = arith.constant 0 : i32
        %dma_wait3A_850 = tpu.memref_slice %arg5[%dma_wait3A_848, %dma_wait3A_849] : memref<504x64xf32, #tpu.memory_space<vmem>> -> memref<336x64xf32, #tpu.memory_space<vmem>>
        tpu.wait_dma2 semaphore(%arg8 : memref<!tpu.dma_semaphore, #tpu.memory_space<semaphore_mem>>) src(%dma_wait3A_850 : memref<336x64xf32, #tpu.memory_space<vmem>>) dst(%dma_wait3A_847 : memref<336x64xf32, #tpu.memory_space<hbm>>)
        %add3A_851 = arith.constant 15 : i32
        %add3A_852 = arith.addi %mul3A_2, %add3A_851 : i32
        %dma_wait3A_853 = arith.constant 0 : i32
        %dma_wait3A_854 = arith.constant 0 : i32
        %dma_wait3A_855 = tpu.memref_slice %arg5[%dma_wait3A_853, %dma_wait3A_854] : memref<504x64xf32, #tpu.memory_space<vmem>> -> memref<336x64xf32, #tpu.memory_space<vmem>>
        %dma_wait3A_856 = arith.constant 0 : i32
        %dma_wait3A_857 = arith.constant 0 : i32
        %dma_wait3A_858 = tpu.memref_slice %arg4[%add3A_852, %dma_wait3A_856, %dma_wait3A_857] : memref<4096x336x64xf32, #tpu.memory_space<hbm>> -> memref<1x336x64xf32, #tpu.memory_space<hbm>>
        %dma_wait3A_859 = tpu.memref_squeeze %dma_wait3A_858 : memref<1x336x64xf32, #tpu.memory_space<hbm>> -> memref<336x64xf32, #tpu.memory_space<hbm>>
        %dma_wait3A_860 = arith.constant 0 : i32
        %dma_wait3A_861 = arith.constant 0 : i32
        %dma_wait3A_862 = tpu.memref_slice %arg4[%add3A_852, %dma_wait3A_860, %dma_wait3A_861] : memref<4096x336x64xf32, #tpu.memory_space<hbm>> -> memref<1x336x64xf32, #tpu.memory_space<hbm>>
        %dma_wait3A_863 = tpu.memref_squeeze %dma_wait3A_862 : memref<1x336x64xf32, #tpu.memory_space<hbm>> -> memref<336x64xf32, #tpu.memory_space<hbm>>
        %dma_wait3A_864 = arith.constant 0 : i32
        %dma_wait3A_865 = arith.constant 0 : i32
        %dma_wait3A_866 = tpu.memref_slice %arg5[%dma_wait3A_864, %dma_wait3A_865] : memref<504x64xf32, #tpu.memory_space<vmem>> -> memref<336x64xf32, #tpu.memory_space<vmem>>
        tpu.wait_dma2 semaphore(%arg8 : memref<!tpu.dma_semaphore, #tpu.memory_space<semaphore_mem>>) src(%dma_wait3A_866 : memref<336x64xf32, #tpu.memory_space<vmem>>) dst(%dma_wait3A_863 : memref<336x64xf32, #tpu.memory_space<hbm>>)
      } else {
      }
    }
    %scan3A_45 = arith.constant 8 : i32
    %add3A_46 = arith.constant 0 : i32
    %add3A_47 = arith.addi %mul3A_2, %add3A_46 : i32
    %dma_wait3A_48 = arith.constant 0 : i32
    %dma_wait3A_49 = arith.constant 0 : i32
    %dma_wait3A_50 = tpu.memref_slice %arg5[%dma_wait3A_48, %dma_wait3A_49] : memref<504x64xf32, #tpu.memory_space<vmem>> -> memref<336x64xf32, #tpu.memory_space<vmem>>
    %dma_wait3A_51 = arith.constant 0 : i32
    %dma_wait3A_52 = arith.constant 0 : i32
    %dma_wait3A_53 = tpu.memref_slice %arg4[%add3A_47, %dma_wait3A_51, %dma_wait3A_52] : memref<4096x336x64xf32, #tpu.memory_space<hbm>> -> memref<1x336x64xf32, #tpu.memory_space<hbm>>
    %dma_wait3A_54 = tpu.memref_squeeze %dma_wait3A_53 : memref<1x336x64xf32, #tpu.memory_space<hbm>> -> memref<336x64xf32, #tpu.memory_space<hbm>>
    %dma_wait3A_55 = arith.constant 0 : i32
    %dma_wait3A_56 = arith.constant 0 : i32
    %dma_wait3A_57 = tpu.memref_slice %arg4[%add3A_47, %dma_wait3A_55, %dma_wait3A_56] : memref<4096x336x64xf32, #tpu.memory_space<hbm>> -> memref<1x336x64xf32, #tpu.memory_space<hbm>>
    %dma_wait3A_58 = tpu.memref_squeeze %dma_wait3A_57 : memref<1x336x64xf32, #tpu.memory_space<hbm>> -> memref<336x64xf32, #tpu.memory_space<hbm>>
    %dma_wait3A_59 = arith.constant 0 : i32
    %dma_wait3A_60 = arith.constant 0 : i32
    %dma_wait3A_61 = tpu.memref_slice %arg5[%dma_wait3A_59, %dma_wait3A_60] : memref<504x64xf32, #tpu.memory_space<vmem>> -> memref<336x64xf32, #tpu.memory_space<vmem>>
    tpu.wait_dma2 semaphore(%arg8 : memref<!tpu.dma_semaphore, #tpu.memory_space<semaphore_mem>>) src(%dma_wait3A_61 : memref<336x64xf32, #tpu.memory_space<vmem>>) dst(%dma_wait3A_58 : memref<336x64xf32, #tpu.memory_space<hbm>>)
    %add3A_62 = arith.constant 1 : i32
    %add3A_63 = arith.addi %mul3A_2, %add3A_62 : i32
    %dma_wait3A_64 = arith.constant 0 : i32
    %dma_wait3A_65 = arith.constant 0 : i32
    %dma_wait3A_66 = tpu.memref_slice %arg5[%dma_wait3A_64, %dma_wait3A_65] : memref<504x64xf32, #tpu.memory_space<vmem>> -> memref<336x64xf32, #tpu.memory_space<vmem>>
    %dma_wait3A_67 = arith.constant 0 : i32
    %dma_wait3A_68 = arith.constant 0 : i32
    %dma_wait3A_69 = tpu.memref_slice %arg4[%add3A_63, %dma_wait3A_67, %dma_wait3A_68] : memref<4096x336x64xf32, #tpu.memory_space<hbm>> -> memref<1x336x64xf32, #tpu.memory_space<hbm>>
    %dma_wait3A_70 = tpu.memref_squeeze %dma_wait3A_69 : memref<1x336x64xf32, #tpu.memory_space<hbm>> -> memref<336x64xf32, #tpu.memory_space<hbm>>
    %dma_wait3A_71 = arith.constant 0 : i32
    %dma_wait3A_72 = arith.constant 0 : i32
    %dma_wait3A_73 = tpu.memref_slice %arg4[%add3A_63, %dma_wait3A_71, %dma_wait3A_72] : memref<4096x336x64xf32, #tpu.memory_space<hbm>> -> memref<1x336x64xf32, #tpu.memory_space<hbm>>
    %dma_wait3A_74 = tpu.memref_squeeze %dma_wait3A_73 : memref<1x336x64xf32, #tpu.memory_space<hbm>> -> memref<336x64xf32, #tpu.memory_space<hbm>>
    %dma_wait3A_75 = arith.constant 0 : i32
    %dma_wait3A_76 = arith.constant 0 : i32
    %dma_wait3A_77 = tpu.memref_slice %arg5[%dma_wait3A_75, %dma_wait3A_76] : memref<504x64xf32, #tpu.memory_space<vmem>> -> memref<336x64xf32, #tpu.memory_space<vmem>>
    tpu.wait_dma2 semaphore(%arg8 : memref<!tpu.dma_semaphore, #tpu.memory_space<semaphore_mem>>) src(%dma_wait3A_77 : memref<336x64xf32, #tpu.memory_space<vmem>>) dst(%dma_wait3A_74 : memref<336x64xf32, #tpu.memory_space<hbm>>)
    %add3A_78 = arith.constant 2 : i32
    %add3A_79 = arith.addi %mul3A_2, %add3A_78 : i32
    %dma_wait3A_80 = arith.constant 0 : i32
    %dma_wait3A_81 = arith.constant 0 : i32
    %dma_wait3A_82 = tpu.memref_slice %arg5[%dma_wait3A_80, %dma_wait3A_81] : memref<504x64xf32, #tpu.memory_space<vmem>> -> memref<336x64xf32, #tpu.memory_space<vmem>>
    %dma_wait3A_83 = arith.constant 0 : i32
    %dma_wait3A_84 = arith.constant 0 : i32
    %dma_wait3A_85 = tpu.memref_slice %arg4[%add3A_79, %dma_wait3A_83, %dma_wait3A_84] : memref<4096x336x64xf32, #tpu.memory_space<hbm>> -> memref<1x336x64xf32, #tpu.memory_space<hbm>>
    %dma_wait3A_86 = tpu.memref_squeeze %dma_wait3A_85 : memref<1x336x64xf32, #tpu.memory_space<hbm>> -> memref<336x64xf32, #tpu.memory_space<hbm>>
    %dma_wait3A_87 = arith.constant 0 : i32
    %dma_wait3A_88 = arith.constant 0 : i32
    %dma_wait3A_89 = tpu.memref_slice %arg4[%add3A_79, %dma_wait3A_87, %dma_wait3A_88] : memref<4096x336x64xf32, #tpu.memory_space<hbm>> -> memref<1x336x64xf32, #tpu.memory_space<hbm>>
    %dma_wait3A_90 = tpu.memref_squeeze %dma_wait3A_89 : memref<1x336x64xf32, #tpu.memory_space<hbm>> -> memref<336x64xf32, #tpu.memory_space<hbm>>
    %dma_wait3A_91 = arith.constant 0 : i32
    %dma_wait3A_92 = arith.constant 0 : i32
    %dma_wait3A_93 = tpu.memref_slice %arg5[%dma_wait3A_91, %dma_wait3A_92] : memref<504x64xf32, #tpu.memory_space<vmem>> -> memref<336x64xf32, #tpu.memory_space<vmem>>
    tpu.wait_dma2 semaphore(%arg8 : memref<!tpu.dma_semaphore, #tpu.memory_space<semaphore_mem>>) src(%dma_wait3A_93 : memref<336x64xf32, #tpu.memory_space<vmem>>) dst(%dma_wait3A_90 : memref<336x64xf32, #tpu.memory_space<hbm>>)
    %add3A_94 = arith.constant 3 : i32
    %add3A_95 = arith.addi %mul3A_2, %add3A_94 : i32
    %dma_wait3A_96 = arith.constant 0 : i32
    %dma_wait3A_97 = arith.constant 0 : i32
    %dma_wait3A_98 = tpu.memref_slice %arg5[%dma_wait3A_96, %dma_wait3A_97] : memref<504x64xf32, #tpu.memory_space<vmem>> -> memref<336x64xf32, #tpu.memory_space<vmem>>
    %dma_wait3A_99 = arith.constant 0 : i32
    %dma_wait3A_100 = arith.constant 0 : i32
    %dma_wait3A_101 = tpu.memref_slice %arg4[%add3A_95, %dma_wait3A_99, %dma_wait3A_100] : memref<4096x336x64xf32, #tpu.memory_space<hbm>> -> memref<1x336x64xf32, #tpu.memory_space<hbm>>
    %dma_wait3A_102 = tpu.memref_squeeze %dma_wait3A_101 : memref<1x336x64xf32, #tpu.memory_space<hbm>> -> memref<336x64xf32, #tpu.memory_space<hbm>>
    %dma_wait3A_103 = arith.constant 0 : i32
    %dma_wait3A_104 = arith.constant 0 : i32
    %dma_wait3A_105 = tpu.memref_slice %arg4[%add3A_95, %dma_wait3A_103, %dma_wait3A_104] : memref<4096x336x64xf32, #tpu.memory_space<hbm>> -> memref<1x336x64xf32, #tpu.memory_space<hbm>>
    %dma_wait3A_106 = tpu.memref_squeeze %dma_wait3A_105 : memref<1x336x64xf32, #tpu.memory_space<hbm>> -> memref<336x64xf32, #tpu.memory_space<hbm>>
    %dma_wait3A_107 = arith.constant 0 : i32
    %dma_wait3A_108 = arith.constant 0 : i32
    %dma_wait3A_109 = tpu.memref_slice %arg5[%dma_wait3A_107, %dma_wait3A_108] : memref<504x64xf32, #tpu.memory_space<vmem>> -> memref<336x64xf32, #tpu.memory_space<vmem>>
    tpu.wait_dma2 semaphore(%arg8 : memref<!tpu.dma_semaphore, #tpu.memory_space<semaphore_mem>>) src(%dma_wait3A_109 : memref<336x64xf32, #tpu.memory_space<vmem>>) dst(%dma_wait3A_106 : memref<336x64xf32, #tpu.memory_space<hbm>>)
    %add3A_110 = arith.constant 4 : i32
    %add3A_111 = arith.addi %mul3A_2, %add3A_110 : i32
    %dma_wait3A_112 = arith.constant 0 : i32
    %dma_wait3A_113 = arith.constant 0 : i32
    %dma_wait3A_114 = tpu.memref_slice %arg5[%dma_wait3A_112, %dma_wait3A_113] : memref<504x64xf32, #tpu.memory_space<vmem>> -> memref<336x64xf32, #tpu.memory_space<vmem>>
    %dma_wait3A_115 = arith.constant 0 : i32
    %dma_wait3A_116 = arith.constant 0 : i32
    %dma_wait3A_117 = tpu.memref_slice %arg4[%add3A_111, %dma_wait3A_115, %dma_wait3A_116] : memref<4096x336x64xf32, #tpu.memory_space<hbm>> -> memref<1x336x64xf32, #tpu.memory_space<hbm>>
    %dma_wait3A_118 = tpu.memref_squeeze %dma_wait3A_117 : memref<1x336x64xf32, #tpu.memory_space<hbm>> -> memref<336x64xf32, #tpu.memory_space<hbm>>
    %dma_wait3A_119 = arith.constant 0 : i32
    %dma_wait3A_120 = arith.constant 0 : i32
    %dma_wait3A_121 = tpu.memref_slice %arg4[%add3A_111, %dma_wait3A_119, %dma_wait3A_120] : memref<4096x336x64xf32, #tpu.memory_space<hbm>> -> memref<1x336x64xf32, #tpu.memory_space<hbm>>
    %dma_wait3A_122 = tpu.memref_squeeze %dma_wait3A_121 : memref<1x336x64xf32, #tpu.memory_space<hbm>> -> memref<336x64xf32, #tpu.memory_space<hbm>>
    %dma_wait3A_123 = arith.constant 0 : i32
    %dma_wait3A_124 = arith.constant 0 : i32
    %dma_wait3A_125 = tpu.memref_slice %arg5[%dma_wait3A_123, %dma_wait3A_124] : memref<504x64xf32, #tpu.memory_space<vmem>> -> memref<336x64xf32, #tpu.memory_space<vmem>>
    tpu.wait_dma2 semaphore(%arg8 : memref<!tpu.dma_semaphore, #tpu.memory_space<semaphore_mem>>) src(%dma_wait3A_125 : memref<336x64xf32, #tpu.memory_space<vmem>>) dst(%dma_wait3A_122 : memref<336x64xf32, #tpu.memory_space<hbm>>)
    %add3A_126 = arith.constant 5 : i32
    %add3A_127 = arith.addi %mul3A_2, %add3A_126 : i32
    %dma_wait3A_128 = arith.constant 0 : i32
    %dma_wait3A_129 = arith.constant 0 : i32
    %dma_wait3A_130 = tpu.memref_slice %arg5[%dma_wait3A_128, %dma_wait3A_129] : memref<504x64xf32, #tpu.memory_space<vmem>> -> memref<336x64xf32, #tpu.memory_space<vmem>>
    %dma_wait3A_131 = arith.constant 0 : i32
    %dma_wait3A_132 = arith.constant 0 : i32
    %dma_wait3A_133 = tpu.memref_slice %arg4[%add3A_127, %dma_wait3A_131, %dma_wait3A_132] : memref<4096x336x64xf32, #tpu.memory_space<hbm>> -> memref<1x336x64xf32, #tpu.memory_space<hbm>>
    %dma_wait3A_134 = tpu.memref_squeeze %dma_wait3A_133 : memref<1x336x64xf32, #tpu.memory_space<hbm>> -> memref<336x64xf32, #tpu.memory_space<hbm>>
    %dma_wait3A_135 = arith.constant 0 : i32
    %dma_wait3A_136 = arith.constant 0 : i32
    %dma_wait3A_137 = tpu.memref_slice %arg4[%add3A_127, %dma_wait3A_135, %dma_wait3A_136] : memref<4096x336x64xf32, #tpu.memory_space<hbm>> -> memref<1x336x64xf32, #tpu.memory_space<hbm>>
    %dma_wait3A_138 = tpu.memref_squeeze %dma_wait3A_137 : memref<1x336x64xf32, #tpu.memory_space<hbm>> -> memref<336x64xf32, #tpu.memory_space<hbm>>
    %dma_wait3A_139 = arith.constant 0 : i32
    %dma_wait3A_140 = arith.constant 0 : i32
    %dma_wait3A_141 = tpu.memref_slice %arg5[%dma_wait3A_139, %dma_wait3A_140] : memref<504x64xf32, #tpu.memory_space<vmem>> -> memref<336x64xf32, #tpu.memory_space<vmem>>
    tpu.wait_dma2 semaphore(%arg8 : memref<!tpu.dma_semaphore, #tpu.memory_space<semaphore_mem>>) src(%dma_wait3A_141 : memref<336x64xf32, #tpu.memory_space<vmem>>) dst(%dma_wait3A_138 : memref<336x64xf32, #tpu.memory_space<hbm>>)
    %add3A_142 = arith.constant 6 : i32
    %add3A_143 = arith.addi %mul3A_2, %add3A_142 : i32
    %dma_wait3A_144 = arith.constant 0 : i32
    %dma_wait3A_145 = arith.constant 0 : i32
    %dma_wait3A_146 = tpu.memref_slice %arg5[%dma_wait3A_144, %dma_wait3A_145] : memref<504x64xf32, #tpu.memory_space<vmem>> -> memref<336x64xf32, #tpu.memory_space<vmem>>
    %dma_wait3A_147 = arith.constant 0 : i32
    %dma_wait3A_148 = arith.constant 0 : i32
    %dma_wait3A_149 = tpu.memref_slice %arg4[%add3A_143, %dma_wait3A_147, %dma_wait3A_148] : memref<4096x336x64xf32, #tpu.memory_space<hbm>> -> memref<1x336x64xf32, #tpu.memory_space<hbm>>
    %dma_wait3A_150 = tpu.memref_squeeze %dma_wait3A_149 : memref<1x336x64xf32, #tpu.memory_space<hbm>> -> memref<336x64xf32, #tpu.memory_space<hbm>>
    %dma_wait3A_151 = arith.constant 0 : i32
    %dma_wait3A_152 = arith.constant 0 : i32
    %dma_wait3A_153 = tpu.memref_slice %arg4[%add3A_143, %dma_wait3A_151, %dma_wait3A_152] : memref<4096x336x64xf32, #tpu.memory_space<hbm>> -> memref<1x336x64xf32, #tpu.memory_space<hbm>>
    %dma_wait3A_154 = tpu.memref_squeeze %dma_wait3A_153 : memref<1x336x64xf32, #tpu.memory_space<hbm>> -> memref<336x64xf32, #tpu.memory_space<hbm>>
    %dma_wait3A_155 = arith.constant 0 : i32
    %dma_wait3A_156 = arith.constant 0 : i32
    %dma_wait3A_157 = tpu.memref_slice %arg5[%dma_wait3A_155, %dma_wait3A_156] : memref<504x64xf32, #tpu.memory_space<vmem>> -> memref<336x64xf32, #tpu.memory_space<vmem>>
    tpu.wait_dma2 semaphore(%arg8 : memref<!tpu.dma_semaphore, #tpu.memory_space<semaphore_mem>>) src(%dma_wait3A_157 : memref<336x64xf32, #tpu.memory_space<vmem>>) dst(%dma_wait3A_154 : memref<336x64xf32, #tpu.memory_space<hbm>>)
    %add3A_158 = arith.constant 7 : i32
    %add3A_159 = arith.addi %mul3A_2, %add3A_158 : i32
    %dma_wait3A_160 = arith.constant 0 : i32
    %dma_wait3A_161 = arith.constant 0 : i32
    %dma_wait3A_162 = tpu.memref_slice %arg5[%dma_wait3A_160, %dma_wait3A_161] : memref<504x64xf32, #tpu.memory_space<vmem>> -> memref<336x64xf32, #tpu.memory_space<vmem>>
    %dma_wait3A_163 = arith.constant 0 : i32
    %dma_wait3A_164 = arith.constant 0 : i32
    %dma_wait3A_165 = tpu.memref_slice %arg4[%add3A_159, %dma_wait3A_163, %dma_wait3A_164] : memref<4096x336x64xf32, #tpu.memory_space<hbm>> -> memref<1x336x64xf32, #tpu.memory_space<hbm>>
    %dma_wait3A_166 = tpu.memref_squeeze %dma_wait3A_165 : memref<1x336x64xf32, #tpu.memory_space<hbm>> -> memref<336x64xf32, #tpu.memory_space<hbm>>
    %dma_wait3A_167 = arith.constant 0 : i32
    %dma_wait3A_168 = arith.constant 0 : i32
    %dma_wait3A_169 = tpu.memref_slice %arg4[%add3A_159, %dma_wait3A_167, %dma_wait3A_168] : memref<4096x336x64xf32, #tpu.memory_space<hbm>> -> memref<1x336x64xf32, #tpu.memory_space<hbm>>
    %dma_wait3A_170 = tpu.memref_squeeze %dma_wait3A_169 : memref<1x336x64xf32, #tpu.memory_space<hbm>> -> memref<336x64xf32, #tpu.memory_space<hbm>>
    %dma_wait3A_171 = arith.constant 0 : i32
    %dma_wait3A_172 = arith.constant 0 : i32
    %dma_wait3A_173 = tpu.memref_slice %arg5[%dma_wait3A_171, %dma_wait3A_172] : memref<504x64xf32, #tpu.memory_space<vmem>> -> memref<336x64xf32, #tpu.memory_space<vmem>>
    tpu.wait_dma2 semaphore(%arg8 : memref<!tpu.dma_semaphore, #tpu.memory_space<semaphore_mem>>) src(%dma_wait3A_173 : memref<336x64xf32, #tpu.memory_space<vmem>>) dst(%dma_wait3A_170 : memref<336x64xf32, #tpu.memory_space<hbm>>)
    %add3A_174 = arith.constant 8 : i32
    %add3A_175 = arith.addi %mul3A_2, %add3A_174 : i32
    %dma_wait3A_176 = arith.constant 0 : i32
    %dma_wait3A_177 = arith.constant 0 : i32
    %dma_wait3A_178 = tpu.memref_slice %arg5[%dma_wait3A_176, %dma_wait3A_177] : memref<504x64xf32, #tpu.memory_space<vmem>> -> memref<336x64xf32, #tpu.memory_space<vmem>>
    %dma_wait3A_179 = arith.constant 0 : i32
    %dma_wait3A_180 = arith.constant 0 : i32
    %dma_wait3A_181 = tpu.memref_slice %arg4[%add3A_175, %dma_wait3A_179, %dma_wait3A_180] : memref<4096x336x64xf32, #tpu.memory_space<hbm>> -> memref<1x336x64xf32, #tpu.memory_space<hbm>>
    %dma_wait3A_182 = tpu.memref_squeeze %dma_wait3A_181 : memref<1x336x64xf32, #tpu.memory_space<hbm>> -> memref<336x64xf32, #tpu.memory_space<hbm>>
    %dma_wait3A_183 = arith.constant 0 : i32
    %dma_wait3A_184 = arith.constant 0 : i32
    %dma_wait3A_185 = tpu.memref_slice %arg4[%add3A_175, %dma_wait3A_183, %dma_wait3A_184] : memref<4096x336x64xf32, #tpu.memory_space<hbm>> -> memref<1x336x64xf32, #tpu.memory_space<hbm>>
    %dma_wait3A_186 = tpu.memref_squeeze %dma_wait3A_185 : memref<1x336x64xf32, #tpu.memory_space<hbm>> -> memref<336x64xf32, #tpu.memory_space<hbm>>
    %dma_wait3A_187 = arith.constant 0 : i32
    %dma_wait3A_188 = arith.constant 0 : i32
    %dma_wait3A_189 = tpu.memref_slice %arg5[%dma_wait3A_187, %dma_wait3A_188] : memref<504x64xf32, #tpu.memory_space<vmem>> -> memref<336x64xf32, #tpu.memory_space<vmem>>
    tpu.wait_dma2 semaphore(%arg8 : memref<!tpu.dma_semaphore, #tpu.memory_space<semaphore_mem>>) src(%dma_wait3A_189 : memref<336x64xf32, #tpu.memory_space<vmem>>) dst(%dma_wait3A_186 : memref<336x64xf32, #tpu.memory_space<hbm>>)
    %add3A_190 = arith.constant 9 : i32
    %add3A_191 = arith.addi %mul3A_2, %add3A_190 : i32
    %dma_wait3A_192 = arith.constant 0 : i32
    %dma_wait3A_193 = arith.constant 0 : i32
    %dma_wait3A_194 = tpu.memref_slice %arg5[%dma_wait3A_192, %dma_wait3A_193] : memref<504x64xf32, #tpu.memory_space<vmem>> -> memref<336x64xf32, #tpu.memory_space<vmem>>
    %dma_wait3A_195 = arith.constant 0 : i32
    %dma_wait3A_196 = arith.constant 0 : i32
    %dma_wait3A_197 = tpu.memref_slice %arg4[%add3A_191, %dma_wait3A_195, %dma_wait3A_196] : memref<4096x336x64xf32, #tpu.memory_space<hbm>> -> memref<1x336x64xf32, #tpu.memory_space<hbm>>
    %dma_wait3A_198 = tpu.memref_squeeze %dma_wait3A_197 : memref<1x336x64xf32, #tpu.memory_space<hbm>> -> memref<336x64xf32, #tpu.memory_space<hbm>>
    %dma_wait3A_199 = arith.constant 0 : i32
    %dma_wait3A_200 = arith.constant 0 : i32
    %dma_wait3A_201 = tpu.memref_slice %arg4[%add3A_191, %dma_wait3A_199, %dma_wait3A_200] : memref<4096x336x64xf32, #tpu.memory_space<hbm>> -> memref<1x336x64xf32, #tpu.memory_space<hbm>>
    %dma_wait3A_202 = tpu.memref_squeeze %dma_wait3A_201 : memref<1x336x64xf32, #tpu.memory_space<hbm>> -> memref<336x64xf32, #tpu.memory_space<hbm>>
    %dma_wait3A_203 = arith.constant 0 : i32
    %dma_wait3A_204 = arith.constant 0 : i32
    %dma_wait3A_205 = tpu.memref_slice %arg5[%dma_wait3A_203, %dma_wait3A_204] : memref<504x64xf32, #tpu.memory_space<vmem>> -> memref<336x64xf32, #tpu.memory_space<vmem>>
    tpu.wait_dma2 semaphore(%arg8 : memref<!tpu.dma_semaphore, #tpu.memory_space<semaphore_mem>>) src(%dma_wait3A_205 : memref<336x64xf32, #tpu.memory_space<vmem>>) dst(%dma_wait3A_202 : memref<336x64xf32, #tpu.memory_space<hbm>>)
    %add3A_206 = arith.constant 10 : i32
    %add3A_207 = arith.addi %mul3A_2, %add3A_206 : i32
    %dma_wait3A_208 = arith.constant 0 : i32
    %dma_wait3A_209 = arith.constant 0 : i32
    %dma_wait3A_210 = tpu.memref_slice %arg5[%dma_wait3A_208, %dma_wait3A_209] : memref<504x64xf32, #tpu.memory_space<vmem>> -> memref<336x64xf32, #tpu.memory_space<vmem>>
    %dma_wait3A_211 = arith.constant 0 : i32
    %dma_wait3A_212 = arith.constant 0 : i32
    %dma_wait3A_213 = tpu.memref_slice %arg4[%add3A_207, %dma_wait3A_211, %dma_wait3A_212] : memref<4096x336x64xf32, #tpu.memory_space<hbm>> -> memref<1x336x64xf32, #tpu.memory_space<hbm>>
    %dma_wait3A_214 = tpu.memref_squeeze %dma_wait3A_213 : memref<1x336x64xf32, #tpu.memory_space<hbm>> -> memref<336x64xf32, #tpu.memory_space<hbm>>
    %dma_wait3A_215 = arith.constant 0 : i32
    %dma_wait3A_216 = arith.constant 0 : i32
    %dma_wait3A_217 = tpu.memref_slice %arg4[%add3A_207, %dma_wait3A_215, %dma_wait3A_216] : memref<4096x336x64xf32, #tpu.memory_space<hbm>> -> memref<1x336x64xf32, #tpu.memory_space<hbm>>
    %dma_wait3A_218 = tpu.memref_squeeze %dma_wait3A_217 : memref<1x336x64xf32, #tpu.memory_space<hbm>> -> memref<336x64xf32, #tpu.memory_space<hbm>>
    %dma_wait3A_219 = arith.constant 0 : i32
    %dma_wait3A_220 = arith.constant 0 : i32
    %dma_wait3A_221 = tpu.memref_slice %arg5[%dma_wait3A_219, %dma_wait3A_220] : memref<504x64xf32, #tpu.memory_space<vmem>> -> memref<336x64xf32, #tpu.memory_space<vmem>>
    tpu.wait_dma2 semaphore(%arg8 : memref<!tpu.dma_semaphore, #tpu.memory_space<semaphore_mem>>) src(%dma_wait3A_221 : memref<336x64xf32, #tpu.memory_space<vmem>>) dst(%dma_wait3A_218 : memref<336x64xf32, #tpu.memory_space<hbm>>)
    %add3A_222 = arith.constant 11 : i32
    %add3A_223 = arith.addi %mul3A_2, %add3A_222 : i32
    %dma_wait3A_224 = arith.constant 0 : i32
    %dma_wait3A_225 = arith.constant 0 : i32
    %dma_wait3A_226 = tpu.memref_slice %arg5[%dma_wait3A_224, %dma_wait3A_225] : memref<504x64xf32, #tpu.memory_space<vmem>> -> memref<336x64xf32, #tpu.memory_space<vmem>>
    %dma_wait3A_227 = arith.constant 0 : i32
    %dma_wait3A_228 = arith.constant 0 : i32
    %dma_wait3A_229 = tpu.memref_slice %arg4[%add3A_223, %dma_wait3A_227, %dma_wait3A_228] : memref<4096x336x64xf32, #tpu.memory_space<hbm>> -> memref<1x336x64xf32, #tpu.memory_space<hbm>>
    %dma_wait3A_230 = tpu.memref_squeeze %dma_wait3A_229 : memref<1x336x64xf32, #tpu.memory_space<hbm>> -> memref<336x64xf32, #tpu.memory_space<hbm>>
    %dma_wait3A_231 = arith.constant 0 : i32
    %dma_wait3A_232 = arith.constant 0 : i32
    %dma_wait3A_233 = tpu.memref_slice %arg4[%add3A_223, %dma_wait3A_231, %dma_wait3A_232] : memref<4096x336x64xf32, #tpu.memory_space<hbm>> -> memref<1x336x64xf32, #tpu.memory_space<hbm>>
    %dma_wait3A_234 = tpu.memref_squeeze %dma_wait3A_233 : memref<1x336x64xf32, #tpu.memory_space<hbm>> -> memref<336x64xf32, #tpu.memory_space<hbm>>
    %dma_wait3A_235 = arith.constant 0 : i32
    %dma_wait3A_236 = arith.constant 0 : i32
    %dma_wait3A_237 = tpu.memref_slice %arg5[%dma_wait3A_235, %dma_wait3A_236] : memref<504x64xf32, #tpu.memory_space<vmem>> -> memref<336x64xf32, #tpu.memory_space<vmem>>
    tpu.wait_dma2 semaphore(%arg8 : memref<!tpu.dma_semaphore, #tpu.memory_space<semaphore_mem>>) src(%dma_wait3A_237 : memref<336x64xf32, #tpu.memory_space<vmem>>) dst(%dma_wait3A_234 : memref<336x64xf32, #tpu.memory_space<hbm>>)
    %add3A_238 = arith.constant 12 : i32
    %add3A_239 = arith.addi %mul3A_2, %add3A_238 : i32
    %dma_wait3A_240 = arith.constant 0 : i32
    %dma_wait3A_241 = arith.constant 0 : i32
    %dma_wait3A_242 = tpu.memref_slice %arg5[%dma_wait3A_240, %dma_wait3A_241] : memref<504x64xf32, #tpu.memory_space<vmem>> -> memref<336x64xf32, #tpu.memory_space<vmem>>
    %dma_wait3A_243 = arith.constant 0 : i32
    %dma_wait3A_244 = arith.constant 0 : i32
    %dma_wait3A_245 = tpu.memref_slice %arg4[%add3A_239, %dma_wait3A_243, %dma_wait3A_244] : memref<4096x336x64xf32, #tpu.memory_space<hbm>> -> memref<1x336x64xf32, #tpu.memory_space<hbm>>
    %dma_wait3A_246 = tpu.memref_squeeze %dma_wait3A_245 : memref<1x336x64xf32, #tpu.memory_space<hbm>> -> memref<336x64xf32, #tpu.memory_space<hbm>>
    %dma_wait3A_247 = arith.constant 0 : i32
    %dma_wait3A_248 = arith.constant 0 : i32
    %dma_wait3A_249 = tpu.memref_slice %arg4[%add3A_239, %dma_wait3A_247, %dma_wait3A_248] : memref<4096x336x64xf32, #tpu.memory_space<hbm>> -> memref<1x336x64xf32, #tpu.memory_space<hbm>>
    %dma_wait3A_250 = tpu.memref_squeeze %dma_wait3A_249 : memref<1x336x64xf32, #tpu.memory_space<hbm>> -> memref<336x64xf32, #tpu.memory_space<hbm>>
    %dma_wait3A_251 = arith.constant 0 : i32
    %dma_wait3A_252 = arith.constant 0 : i32
    %dma_wait3A_253 = tpu.memref_slice %arg5[%dma_wait3A_251, %dma_wait3A_252] : memref<504x64xf32, #tpu.memory_space<vmem>> -> memref<336x64xf32, #tpu.memory_space<vmem>>
    tpu.wait_dma2 semaphore(%arg8 : memref<!tpu.dma_semaphore, #tpu.memory_space<semaphore_mem>>) src(%dma_wait3A_253 : memref<336x64xf32, #tpu.memory_space<vmem>>) dst(%dma_wait3A_250 : memref<336x64xf32, #tpu.memory_space<hbm>>)
    %add3A_254 = arith.constant 13 : i32
    %add3A_255 = arith.addi %mul3A_2, %add3A_254 : i32
    %dma_wait3A_256 = arith.constant 0 : i32
    %dma_wait3A_257 = arith.constant 0 : i32
    %dma_wait3A_258 = tpu.memref_slice %arg5[%dma_wait3A_256, %dma_wait3A_257] : memref<504x64xf32, #tpu.memory_space<vmem>> -> memref<336x64xf32, #tpu.memory_space<vmem>>
    %dma_wait3A_259 = arith.constant 0 : i32
    %dma_wait3A_260 = arith.constant 0 : i32
    %dma_wait3A_261 = tpu.memref_slice %arg4[%add3A_255, %dma_wait3A_259, %dma_wait3A_260] : memref<4096x336x64xf32, #tpu.memory_space<hbm>> -> memref<1x336x64xf32, #tpu.memory_space<hbm>>
    %dma_wait3A_262 = tpu.memref_squeeze %dma_wait3A_261 : memref<1x336x64xf32, #tpu.memory_space<hbm>> -> memref<336x64xf32, #tpu.memory_space<hbm>>
    %dma_wait3A_263 = arith.constant 0 : i32
    %dma_wait3A_264 = arith.constant 0 : i32
    %dma_wait3A_265 = tpu.memref_slice %arg4[%add3A_255, %dma_wait3A_263, %dma_wait3A_264] : memref<4096x336x64xf32, #tpu.memory_space<hbm>> -> memref<1x336x64xf32, #tpu.memory_space<hbm>>
    %dma_wait3A_266 = tpu.memref_squeeze %dma_wait3A_265 : memref<1x336x64xf32, #tpu.memory_space<hbm>> -> memref<336x64xf32, #tpu.memory_space<hbm>>
    %dma_wait3A_267 = arith.constant 0 : i32
    %dma_wait3A_268 = arith.constant 0 : i32
    %dma_wait3A_269 = tpu.memref_slice %arg5[%dma_wait3A_267, %dma_wait3A_268] : memref<504x64xf32, #tpu.memory_space<vmem>> -> memref<336x64xf32, #tpu.memory_space<vmem>>
    tpu.wait_dma2 semaphore(%arg8 : memref<!tpu.dma_semaphore, #tpu.memory_space<semaphore_mem>>) src(%dma_wait3A_269 : memref<336x64xf32, #tpu.memory_space<vmem>>) dst(%dma_wait3A_266 : memref<336x64xf32, #tpu.memory_space<hbm>>)
    %add3A_270 = arith.constant 14 : i32
    %add3A_271 = arith.addi %mul3A_2, %add3A_270 : i32
    %dma_wait3A_272 = arith.constant 0 : i32
    %dma_wait3A_273 = arith.constant 0 : i32
    %dma_wait3A_274 = tpu.memref_slice %arg5[%dma_wait3A_272, %dma_wait3A_273] : memref<504x64xf32, #tpu.memory_space<vmem>> -> memref<336x64xf32, #tpu.memory_space<vmem>>
    %dma_wait3A_275 = arith.constant 0 : i32
    %dma_wait3A_276 = arith.constant 0 : i32
    %dma_wait3A_277 = tpu.memref_slice %arg4[%add3A_271, %dma_wait3A_275, %dma_wait3A_276] : memref<4096x336x64xf32, #tpu.memory_space<hbm>> -> memref<1x336x64xf32, #tpu.memory_space<hbm>>
    %dma_wait3A_278 = tpu.memref_squeeze %dma_wait3A_277 : memref<1x336x64xf32, #tpu.memory_space<hbm>> -> memref<336x64xf32, #tpu.memory_space<hbm>>
    %dma_wait3A_279 = arith.constant 0 : i32
    %dma_wait3A_280 = arith.constant 0 : i32
    %dma_wait3A_281 = tpu.memref_slice %arg4[%add3A_271, %dma_wait3A_279, %dma_wait3A_280] : memref<4096x336x64xf32, #tpu.memory_space<hbm>> -> memref<1x336x64xf32, #tpu.memory_space<hbm>>
    %dma_wait3A_282 = tpu.memref_squeeze %dma_wait3A_281 : memref<1x336x64xf32, #tpu.memory_space<hbm>> -> memref<336x64xf32, #tpu.memory_space<hbm>>
    %dma_wait3A_283 = arith.constant 0 : i32
    %dma_wait3A_284 = arith.constant 0 : i32
    %dma_wait3A_285 = tpu.memref_slice %arg5[%dma_wait3A_283, %dma_wait3A_284] : memref<504x64xf32, #tpu.memory_space<vmem>> -> memref<336x64xf32, #tpu.memory_space<vmem>>
    tpu.wait_dma2 semaphore(%arg8 : memref<!tpu.dma_semaphore, #tpu.memory_space<semaphore_mem>>) src(%dma_wait3A_285 : memref<336x64xf32, #tpu.memory_space<vmem>>) dst(%dma_wait3A_282 : memref<336x64xf32, #tpu.memory_space<hbm>>)
    %add3A_286 = arith.constant 15 : i32
    %add3A_287 = arith.addi %mul3A_2, %add3A_286 : i32
    %dma_wait3A_288 = arith.constant 0 : i32
    %dma_wait3A_289 = arith.constant 0 : i32
    %dma_wait3A_290 = tpu.memref_slice %arg5[%dma_wait3A_288, %dma_wait3A_289] : memref<504x64xf32, #tpu.memory_space<vmem>> -> memref<336x64xf32, #tpu.memory_space<vmem>>
    %dma_wait3A_291 = arith.constant 0 : i32
    %dma_wait3A_292 = arith.constant 0 : i32
    %dma_wait3A_293 = tpu.memref_slice %arg4[%add3A_287, %dma_wait3A_291, %dma_wait3A_292] : memref<4096x336x64xf32, #tpu.memory_space<hbm>> -> memref<1x336x64xf32, #tpu.memory_space<hbm>>
    %dma_wait3A_294 = tpu.memref_squeeze %dma_wait3A_293 : memref<1x336x64xf32, #tpu.memory_space<hbm>> -> memref<336x64xf32, #tpu.memory_space<hbm>>
    %dma_wait3A_295 = arith.constant 0 : i32
    %dma_wait3A_296 = arith.constant 0 : i32
    %dma_wait3A_297 = tpu.memref_slice %arg4[%add3A_287, %dma_wait3A_295, %dma_wait3A_296] : memref<4096x336x64xf32, #tpu.memory_space<hbm>> -> memref<1x336x64xf32, #tpu.memory_space<hbm>>
    %dma_wait3A_298 = tpu.memref_squeeze %dma_wait3A_297 : memref<1x336x64xf32, #tpu.memory_space<hbm>> -> memref<336x64xf32, #tpu.memory_space<hbm>>
    %dma_wait3A_299 = arith.constant 0 : i32
    %dma_wait3A_300 = arith.constant 0 : i32
    %dma_wait3A_301 = tpu.memref_slice %arg5[%dma_wait3A_299, %dma_wait3A_300] : memref<504x64xf32, #tpu.memory_space<vmem>> -> memref<336x64xf32, #tpu.memory_space<vmem>>
    tpu.wait_dma2 semaphore(%arg8 : memref<!tpu.dma_semaphore, #tpu.memory_space<semaphore_mem>>) src(%dma_wait3A_301 : memref<336x64xf32, #tpu.memory_space<vmem>>) dst(%dma_wait3A_298 : memref<336x64xf32, #tpu.memory_space<hbm>>)
    return
  }
}

</mosaic_0001>

<sc_bundles>
// kernel: kernel.3.cloned.1.call-start
scs
__scs_entry_jumppad:
0x0: {  	(pc) =	sbr.rel $0x88, $3  }
0x1: {  	(tag) =	ssettag $0x0;
	lr =	simm.s32 $0x1  }
0x2: {  	[smem:$0x3F9F] =	sst lr;
	_ =	strace $0xD0000000  }
0x3: {  	_ = 	snop  }
0x4: {  	_ = 	snop  }
0x5: {  	_ = 	snop  }
0x6: {  	_ = 	snop  }
0x7: {  	_ = 	snop  }
__scs_overlays_trampoline_lowered:
0x8: {  	[smem:$0x3FAE] =	sst s0  }
0x9: {  	[smem:$0x3FAF] =	sst s1  }
0xa: {  	[smem:$0x3FB0] =	sst s2  }
0xb: {  	[smem:$0x3FB1] =	sst s3  }
0xc: {  	[smem:$0x3FB2] =	sst s4  }
0xd: {  	[smem:$0x3FB3] =	sst s5  }
0xe: {  	[smem:$0x3FB4] =	sst s6  }
0xf: {  	[smem:$0x3FB5] =	sst s7  }
0x10: {  	[smem:$0x3FB6] =	sst s8  }
0x11: {  	[smem:$0x3FB7] =	sst s9;
	s0 =	simm.s32 @!p0 $0x0  }
0x12: {  	s1 =	sld [smem:$0x3F9D];
	s0 =	simm.s32 @p0 $0x1  }
0x13: {  	[smem:$0x3FB8] =	sst s0;
	s0 =	simm.s32 @!p1 $0x0  }
0x14: {  	s2 =	sld [smem:$0x3F9C];
	s0 =	simm.s32 @p1 $0x1  }
0x15: {  	[smem:$0x3FB9] =	sst s0;
	s0 =	simm.s32 @!p2 $0x0  }
0x16: {  	s3 =	sld [smem:$0x3FDB];
	s0 =	simm.s32 @p2 $0x1  }
0x17: {  	s4 =	simm.s32 $0x1BF5;
	[smem:$0x3FBB] =	sst s0  }
0x18: {  	s0 =	sld [smem:$0x3F9E];
	_ =	swait.ge [sflag:s4], $0x0  }
0x19: {  	s7 =	sld [smem:$0x3F9F]  }
0x1a: {  	s8 =	sadd.s32 $0xFFFFE003, lr  }
0x1b: {  	s9 =	sadd.s32 $0xFFFFFEF7, lr;
	s5 =	simm.s32 $0xFFFFFFFF;
	p2 =	slt.u32 s8, $0xFFFFF086  }
0x1c: {  	p1 =	slt.u32 s9, $0xF7A;
	s5 =	simm.s32 @!p2 $0x0  }
0x1d: {  	s5 =	simm.s32 @p1 $0x1;
	p0 =	seq.s32 s7, s2  }
0x1e: {  	s7 =	smul.u32 @!p0 $0xF7A, s2;
	p2 =	seq.s32 @!p0 s5, $0x0  }
0x1f: {  	s9 =	smul.u32 $0xF7A, s1;
	s8 =	simm.s32 @!p0 $0x1BF5;
	p2 =	por !p2, p0  }
0x20: {  	[sflag:s8] =	ssyncset.s32 @!p0 $0xFFFFF086;
	s6 =	sadd.s32 @!p0 s3, s7;
	s7 =	simm.s32 @!p0 $0x108  }
0x21: {  	s3 =	sadd.s32 s3, s9;
	s6 =	sadd.s32 @!p0 $0x88, s6;
	s7 =	simm.s32 @p2 $0x1082  }
0x22: {  	[simem:s7], [sflag:s8] =	dma.local @!p0 [hbm:s6], $0xF7A  }
0x23: {  	s9 =	sor.u32 $0xD0000000, s2;
	s6 =	simm.s32 $0x108;
	_ =	swait.ge @!p0 [sflag:s8], $0x0  }
0x24: {  	s3 =	sadd.s32 $0x88, s3;
	s6 =	simm.s32 @!p1 $0x1082;
	[sflag:s4] =	ssyncset.s32 $0xFFFFF086  }
0x25: {  	[simem:s6], [sflag:s4] =	dma.local [hbm:s3], $0xF7A  }
0x26: {  	[smem:$0x3F9F] =	sst s1;
	(tag) =	ssettag s2;
	_ =	strace s9  }
0x27: {  	s1 =	sld [smem:$0x3FAF]  }
0x28: {  	s2 =	sld [smem:$0x3FB0]  }
0x29: {  	s4 =	sld [smem:$0x3FB2]  }
0x2a: {  	p0 =	seq.s32 s5, $0x0;
	s5 =	sld [smem:$0x3FB3]  }
0x2b: {  	s6 =	sld [smem:$0x3FB4]  }
0x2c: {  	s7 =	sld [smem:$0x3FB5]  }
0x2d: {  	s3 =	simm.s32 $0x108;
	s8 =	sld [smem:$0x3FB6]  }
0x2e: {  	s3 =	simm.s32 @!p0 $0x1082;
	s9 =	sld [smem:$0x3FB7]  }
0x2f: {  	lr =	sadd.s32 s0, s3;
	s0 =	sld [smem:$0x3FAE]  }
0x30: {  	s3 =	sld [smem:$0x3FB1]  }
0x31: {  	[smem:$0x3FBA] =	sst s10  }
0x32: {  	s10 =	sld [smem:$0x3FB8];
	_ =	sdelay $0x3  }
0x33: {  	p0 =	seq.s32 s10, $0x1;
	s10 =	sld [smem:$0x3FBA];
	_ =	sdelay $0x3  }
0x34: {  	[smem:$0x3FBA] =	sst s10  }
0x35: {  	s10 =	sld [smem:$0x3FB9];
	_ =	sdelay $0x3  }
0x36: {  	p1 =	seq.s32 s10, $0x1;
	s10 =	sld [smem:$0x3FBA];
	_ =	sdelay $0x3  }
0x37: {  	[smem:$0x3FBA] =	sst s10  }
0x38: {  	s10 =	sld [smem:$0x3FBB]  }
0x39: {  	_ = 	snop;
	(pc) =	sbr.ind lr, $3  }
0x3a: {  	_ = 	snop  }
0x3b: {  	_ = 	snop  }
0x3c: {  	p2 =	seq.s32 s10, $0x1;
	s10 =	sld [smem:$0x3FBA]  }
0x3d: {  	_ =	shalt  }
0x3e: {  	_ =	shalt  }
0x3f: {  	_ =	shalt  }
0x40: {  	_ =	shalt  }
0x41: {  	_ =	shalt  }
0x42: {  	_ =	shalt  }
0x43: {  	_ =	shalt  }
0x44: {  	_ =	shalt  }
0x45: {  	_ =	shalt  }
0x46: {  	_ =	shalt  }
0x47: {  	_ =	shalt  }
0x48: {  	_ =	shalt  }
0x49: {  	_ =	shalt  }
0x4a: {  	_ =	shalt  }
0x4b: {  	_ =	shalt  }
0x4c: {  	_ =	shalt  }
0x4d: {  	_ =	shalt  }
0x4e: {  	_ =	shalt  }
0x4f: {  	_ =	shalt  }
0x50: {  	_ =	shalt  }
0x51: {  	_ =	shalt  }
0x52: {  	_ =	shalt  }
0x53: {  	_ =	shalt  }
0x54: {  	_ =	shalt  }
0x55: {  	_ =	shalt  }
0x56: {  	_ =	shalt  }
0x57: {  	_ =	shalt  }
0x58: {  	_ =	shalt  }
0x59: {  	_ =	shalt  }
0x5a: {  	_ =	shalt  }
0x5b: {  	_ =	shalt  }
0x5c: {  	_ =	shalt  }
0x5d: {  	_ =	shalt  }
0x5e: {  	_ =	shalt  }
0x5f: {  	_ =	shalt  }
0x60: {  	_ =	shalt  }
0x61: {  	_ =	shalt  }
0x62: {  	_ =	shalt  }
0x63: {  	_ =	shalt  }
0x64: {  	_ =	shalt  }
0x65: {  	_ =	shalt  }
0x66: {  	_ =	shalt  }
0x67: {  	_ =	shalt  }
0x68: {  	_ =	shalt  }
0x69: {  	_ =	shalt  }
0x6a: {  	_ =	shalt  }
0x6b: {  	_ =	shalt  }
0x6c: {  	_ =	shalt  }
0x6d: {  	_ =	shalt  }
0x6e: {  	_ =	shalt  }
0x6f: {  	_ =	shalt  }
0x70: {  	_ =	shalt  }
0x71: {  	_ =	shalt  }
0x72: {  	_ =	shalt  }
0x73: {  	_ =	shalt  }
0x74: {  	_ =	shalt  }
0x75: {  	_ =	shalt  }
0x76: {  	_ =	shalt  }
0x77: {  	_ =	shalt  }
0x78: {  	_ =	shalt  }
0x79: {  	_ =	shalt  }
0x7a: {  	_ =	shalt  }
0x7b: {  	_ =	shalt  }
0x7c: {  	_ =	shalt  }
0x7d: {  	_ =	shalt  }
0x7e: {  	_ =	shalt  }
0x7f: {  	_ =	shalt  }
0x80: {  	_ =	shalt  }
0x81: {  	_ =	shalt  }
0x82: {  	_ =	shalt  }
0x83: {  	_ =	shalt  }
0x84: {  	_ =	shalt  }
0x85: {  	_ =	shalt  }
0x86: {  	_ =	shalt  }
0x87: {  	_ =	shalt  }
.Lfunc_end0:
.L_simem_size_0:
called_computation_lowered:
.L_overlay_start_0:
0x88: {  	s2 =	sld [smem:$0x3FD9]  }
0x89: {  	s3 =	sld [smem:$0x3FFE];
	_ =	sdelay $0x1  }
0x8a: {  	s1 =	srdreg.scid  }
0x8b: {  	s0 =	sand.u32 $0x1, s1  }
0x8c: {  	s17 =	sshll.u32 s0, $0xA;
	s2 =	sadd.s32 s3, s2  }
0x8d: {  	s2 =	sadd.s32 s2, s17  }
0x8e: {  	[smem:$0x3FC6] =	sst s2  }
0x8f: {  	_ = 	snop  }
0x90: {  	s2 =	sld [smem:$0x3FC9]  }
0x91: {  	s18 =	sld [smem:$0x3FD0];
	(tm) =	ssettm $0x1  }
0x92: {  	s4 =	sld [smem:$0x3FFB];
	_ =	sdelay $0x3  }
0x93: {  	_ =	strace s4  }
0x94: {  	s4 =	sld [smem:$0x3FFC];
	_ =	sdelay $0x3  }
0x95: {  	_ =	strace s4  }
0x96: {  	s4 =	sld [smem:$0x3FFD];
	_ =	sdelay $0x3  }
0x97: {  	_ =	strace s4  }
0x98: {  	_ =	strace $0x8FFFFFFF  }
0x99: {  	s19 =	sld [smem:$0x3FDB];
	_ =	sdelay $0x1  }
0x9a: {  	s5 =	simm.s32 $_scs_section_size  }
0x9b: {  	s6 =	simm.s32 $_size__tile_overlayer_lowered;
	s7 =	simm.s32 $_tile_overlayer_lowered  }
0x9c: {  	s22 =	simm.s32 $0x1BFF;
	s21 =	sshll.u32 s7, $0x1;
	s4 =	sadd.s32 s5, s19  }
0x9d: {  	s8 =	simm.s32 $0x0;
	s20 =	sshll.u32 s6, $0x1;
	s6 =	sadd.s32 s21, s4  }
0x9e: {  	[timem:s8], [sflag:s22] =	dma.local [hbm:s6], s20  }
0x9f: {  	_ =	swait.ge [sflag:s22], s20  }
0xa0: {  	s5 =	ssub.s32 $0x0, s20;
	[sflag:s22] =	ssyncset.done $0x0  }
0xa1: {  	[sflag:s22] =	ssyncadd.s32 s5;
	_ =	sdelay $0x1  }
0xa2: {  	s23 =	simm.s32 $0x1B8B  }
0xa3: {  	_ =	swait.ge [sflag:s23], $0x1  }
0xa4: {  	[sflag:s23] =	ssyncset.done $0x0  }
0xa5: {  	s25 =	simm.s32 $0x1B8E;
	s24 =	sld [smem:$0x3FFE];
	[sflag:s23] =	ssyncadd.s32 $0xFFFFFFFF  }
0xa6: {  	s26 =	simm.s32 $execute0_lowered;
	[smem:$0x3FD2] =	sst s25  }
0xa7: {  	s6 =	sshll.u32 s26, $0x1;
	_ =	strace $0x80000046;
	[dreg:$0x1] =	wrdreg $0xFFFFFFFF  }
0xa8: {  	s28 =	simm.s32 $_size_execute0_lowered;
	s4 =	sadd.s32 s4, s6;
	[dreg:$0x0] =	wrdreg $0x0  }
0xa9: {  	s6 =	sshll.u32 s28, $0x1;
	[dreg:$0x2] =	wrdreg s4  }
0xaa: {  	[dreg:$0x3] =	wrdreg s6  }
0xab: {  	[dreg:$0x4] =	wrdreg $0xC0  }
0xac: {  	_ =	task [dreg:s8], $0x5FFFF  }
0xad: {  	[dreg:$0x1] =	wrdreg $0xFFFFFFFF  }
0xae: {  	[dreg:$0x0] =	wrdreg $0x60  }
0xaf: {  	[dreg:$0x2] =	wrdreg s2  }
0xb0: {  	[dreg:$0x3] =	wrdreg s18  }
0xb1: {  	[dreg:$0x4] =	wrdreg s24  }
0xb2: {  	[dreg:$0x5] =	wrdreg $0x9  }
0xb3: {  	_ =	task.clear_ibuf [dreg:s8], $0x6FFFF;
	_ =	strace $0x90000046  }
0xb4: {  	s29 =	simm.s32 $0x9;
	_ =	strace $0x80000048  }
0xb5: {  	_ =	swait.ge [sflag:s29], $0x1  }
0xb6: {  	[sflag:s29] =	ssyncadd.s32 $0xFFFFFFFF  }
0xb7: {  	_ =	strace $0x90000048  }
0xb8: {  	_ =	sfence  }
0xb9: {  	s30 =	sld [smem:$0x0];
	_ =	sdelay $0x2  }
0xba: {  	s31 =	sshll.u32 s1, $0xD;
	s1 =	sshrl.u32 s1, $0x2  }
0xbb: {  	s3 =	sand.u32 $0x4000, s31;
	s1 =	sadd.s32 s1, s30  }
0xbc: {  	s0 =	sor.u32 s3, s0;
	s1 =	sshll.u32 s1, $0x11  }
0xbd: {  	s0 =	sor.u32 s1, s0  }
0xbe: {  	s0 =	sadd.s32 $0x8F2B, s0  }
0xbf: {  	[sflag:s0] =	ssyncadd.remote.s32 $0x1  }
0xc0: {  	_ =	sfence.sel $0xFFFF  }
0xc1: {  	[dreg:$0x0] =	wrdreg $0xFFFFFFFF;
	(pc) =	sbr.abs _section_cstart, $3  }
0xc2: {  	[dreg:$0x1] =	wrdreg $0xFFFFFFFF  }
0xc3: {  	_ =	task.clear_ibuf [dreg:s8], $0x2FFFF;
	_ =	strace $0x9FFFFFFF  }
0xc4: {  	(tm) =	ssettm $0x7FFFFFFF  }
0xc5: {  	_ =	shalt  }
tec
execute0_lowered:
.L_overlay_start_1:
0x0: {  	(tag) =	ssettag $0x1  }
0x1: {  	s0 =	srdreg.scid  }
0x2: {  	s4 =	rddreg [dreg:$0x0];
	s8 =	sand.u32 $0x1, s0;
	s0 =	stileid.u32  }
0x3: {  	s6 =	rddreg [dreg:$0x2];
	s7 =	smul.u32 $0xA80000, s0  }
0x4: {  	s1 =	rddreg [dreg:$0x1];
	s6 =	sadd.s32 $0x400, s6;
	s11 =	smul.u32 $0x540000, s8  }
0x5: {  	s2 =	ssub.s32 $0x2, s8;
	s9 =	sshll.u32 s0, $0x8;
	s19 =	smul.u32 $0x150000, s0  }
0x6: {  	s10 =	sshll.u32 s8, $0x7;
	s8 =	smul.u32 $0xA8000, s8;
	s3 =	sshrl.u32 s2, $0x1  }
0x7: {  	s9 =	sor.u32 s10, s9;
	s5 =	ssub.s32 s2, s3;
	s2 =	rddreg [dreg:$0x3]  }
0x8: {  	s3 =	simm.s32 $0x0;
	s7 =	sadd.s32 s11, s7;
	s9 =	sshrl.u32 s9, $0x3  }
0x9: {  	s10 =	sadd.s32 s19, s6;
	[smem:$0x7FF] =	sst s3;
	s4 =	sadd.s32 s4, s9  }
0xa: {  	s8 =	sadd.s32 s8, s10;
	s20 =	sadd.s32 $0x9D800, s7;
	s22 =	sadd.s32 $0x93000, s7  }
0xb: {  	s23 =	sadd.s32 $0x88800, s7;
	s28 =	sadd.s32 $0x7E000, s7;
	s30 =	sadd.s32 $0x73800, s7  }
0xc: {  	s31 =	sadd.s32 $0x69000, s7;
	s13 =	sadd.s32 $0x5E800, s7;
	s15 =	sadd.s32 $0x54000, s7  }
0xd: {  	s16 =	sadd.s32 $0x49800, s7;
	s5 =	smax.u32 s5, $0x1;
	s10 =	simm.s32 $0x0  }
0xe: {  	_ =	strace $0x80000047;
	[dreg:$0x4] =	wrdreg s8;
	s21 =	sshrl.u32 s20, $0x3  }
0xf: {  	s9 =	sshrl.u32 s22, $0x3;
	s25 =	sshrl.u32 s23, $0x3;
	s29 =	sshrl.u32 s28, $0x3  }
0x10: {  	s11 =	sshrl.u32 s31, $0x3;
	s14 =	sshrl.u32 s13, $0x3;
	s18 =	sshrl.u32 s16, $0x3  }
0x11: {  	s20 =	sor.u32 $0x3F000, s7;
	s22 =	sor.u32 $0x34800, s7;
	s8 =	sadd.s32 s21, s6  }
0x12: {  	s23 =	sor.u32 $0x2A000, s7;
	s24 =	sadd.s32 s9, s6;
	[dreg:$0x5] =	wrdreg s8  }
0x13: {  	s28 =	sor.u32 $0x1F800, s7;
	s26 =	sadd.s32 s25, s6;
	[dreg:$0x6] =	wrdreg s24  }
0x14: {  	s9 =	sshrl.u32 s30, $0x3;
	s12 =	sadd.s32 s11, s6;
	[dreg:$0x7] =	wrdreg s26  }
0x15: {  	s19 =	sadd.s32 s18, s6;
	s21 =	sshrl.u32 s20, $0x3;
	[dreg:$0xa] =	wrdreg s12  }
0x16: {  	s25 =	sshrl.u32 s23, $0x3;
	s8 =	sadd.s32 s29, s6;
	[dreg:$0xd] =	wrdreg s19  }
0x17: {  	s30 =	sor.u32 $0x15000, s7;
	s9 =	sadd.s32 s9, s6;
	[dreg:$0x8] =	wrdreg s8  }
0x18: {  	s7 =	sor.u32 $0xA800, s7;
	s26 =	sadd.s32 s25, s6;
	[dreg:$0x9] =	wrdreg s9  }
0x19: {  	s8 =	sadd.s32 s14, s6;
	s9 =	sshrl.u32 s15, $0x3;
	[dreg:$0x10] =	wrdreg s26  }
0x1a: {  	s29 =	sshrl.u32 s28, $0x3;
	[dreg:$0xb] =	wrdreg s8;
	s17 =	sadd.s32 s9, s6  }
0x1b: {  	s8 =	sadd.s32 s21, s6;
	s9 =	sshrl.u32 s22, $0x3;
	[dreg:$0xc] =	wrdreg s17  }
0x1c: {  	s7 =	sshrl.u32 s7, $0x3;
	[dreg:$0xe] =	wrdreg s8;
	s24 =	sadd.s32 s9, s6  }
0x1d: {  	s8 =	sadd.s32 s29, s6;
	s9 =	sshrl.u32 s30, $0x3;
	[dreg:$0xf] =	wrdreg s24  }
0x1e: {  	[dreg:$0x11] =	wrdreg s8;
	s31 =	sadd.s32 s9, s6;
	s6 =	sadd.s32 s7, s6  }
0x1f: {  	s7 =	simm.s32 $0xA800;
	s8 =	simm.s32 $0x1;
	[dreg:$0x12] =	wrdreg s31  }
0x20: {  	s9 =	simm.s32 $0x2;
	[dreg:$0x13] =	wrdreg s6;
	s6 =	simm.s32 $0x5400  }
.LBB2_1:
0x21: {  	[tilespmem:s3], [sflag:$0x1] =	stream.linear.gather [hbm4b:s1+s3], $0x5400, $0x38;
	[tilespmem:$0xFC80] =	vst v63  }
0x22: {  	_ = 	snop  }
0x23: {  	[tilespmem:s6], [sflag:$0x1] =	stream.linear.gather [hbm4b:s1+s3], $0x5400, $0x38;
	[tilespmem:$0xFC80] =	vst v63  }
0x24: {  	_ = 	snop  }
0x25: {  	[tilespmem:s7], [sflag:$0x1] =	stream.linear.gather [hbm4b:s1+s3], $0x5400, $0x38;
	[tilespmem:$0xFC80] =	vst v63  }
0x26: {  	s11 =	simm.s32 $0xFC00  }
0x27: {  	[tilespmem:s11], [sflag:$0x1] =	stream.linear.gather [hbm4b:s4+s3], $0x80, $0x38;
	[tilespmem:$0xFC80] =	vst v63  }
0x28: {  	_ =	swait.ge [sflag:s8], $0x5400  }
0x29: {  	[sflag:s8] =	ssyncset.done $0x0  }
0x2a: {  	[sflag:s8] =	ssyncadd.s32 $0xFFFFAC00  }
0x2b: {  	_ =	swait.ge [sflag:s8], $0x5400  }
0x2c: {  	[sflag:s8] =	ssyncset.done $0x0  }
0x2d: {  	[sflag:s8] =	ssyncadd.s32 $0xFFFFAC00  }
0x2e: {  	_ =	swait.ge [sflag:s8], $0x5400  }
0x2f: {  	[sflag:s8] =	ssyncset.done $0x0  }
0x30: {  	[sflag:s8] =	ssyncadd.s32 $0xFFFFAC00  }
0x31: {  	_ =	swait.ge [sflag:s8], $0x80  }
0x32: {  	[sflag:s8] =	ssyncset.done $0x0  }
0x33: {  	[sflag:s8] =	ssyncadd.s32 $0xFFFFFF80  }
0x34: {  	v0 =	vld [tilespmem:s11+$0x0];
	_ =	sdelay $0x4  }
0x35: {  	v0 =	vshll.u32 v0, $0x9  }
0x36: {  	v0 =	vshra.s32 v0, $0x2  }
0x37: {  	(v2sf) =	vpush v0, $0x0;
	_ =	sdelay $0x1  }
0x38: {  	(v2sf) =	vpush v0, $0x1;
	_ =	sdelay $0x1  }
0x39: {  	(v2sf) =	vpush v0, $0x2;
	_ =	sdelay $0x1  }
0x3a: {  	(v2sf) =	vpush v0, $0x3;
	_ =	sdelay $0x1  }
0x3b: {  	(v2sf) =	vpush v0, $0x4;
	_ =	sdelay $0x1  }
0x3c: {  	(v2sf) =	vpush v0, $0x5;
	_ =	sdelay $0x1  }
0x3d: {  	(v2sf) =	vpush v0, $0x6;
	_ =	sdelay $0x1  }
0x3e: {  	p1 =	por $0x1, $0x1;
	s12 =	rddreg [dreg:$0x4];
	(v2sf) =	vpush v0, $0x7  }
0x3f: {  	s13 =	rddreg [dreg:$0x13];
	s12 =	sadd.s32 $0x0, s12;
	s15 =	spop (v2sf)  }
0x40: {  	(v2sf) =	vpush v0, $0x8;
	[hbm4b:s12+s3] =	stream.linear.scatter [tilespmem:s15], [sflag:$0x2], $0xA800, $0x38;
	[tilespmem:$0xFC80] =	vst v63  }
0x41: {  	s14 =	rddreg [dreg:$0x12];
	s19 =	sadd.s32 $0x0, s13;
	s21 =	spop (v2sf)  }
0x42: {  	(v2sf) =	vpush v0, $0x9;
	[hbm4b:s19+s3] =	stream.linear.scatter [tilespmem:s21], [sflag:$0x2], $0xA800, $0x38;
	[tilespmem:$0xFC80] =	vst v63  }
0x43: {  	s20 =	rddreg [dreg:$0x11];
	s22 =	sadd.s32 $0x0, s14;
	s24 =	spop (v2sf)  }
0x44: {  	(v2sf) =	vpush v0, $0xA;
	[hbm4b:s22+s3] =	stream.linear.scatter [tilespmem:s24], [sflag:$0x2], $0xA800, $0x38;
	[tilespmem:$0xFC80] =	vst v63  }
0x45: {  	s23 =	rddreg [dreg:$0x10];
	s25 =	sadd.s32 $0x0, s20;
	s28 =	spop (v2sf)  }
0x46: {  	(v2sf) =	vpush v0, $0xB;
	[hbm4b:s25+s3] =	stream.linear.scatter [tilespmem:s28], [sflag:$0x2], $0xA800, $0x38;
	[tilespmem:$0xFC80] =	vst v63  }
0x47: {  	s26 =	rddreg [dreg:$0xf];
	s29 =	sadd.s32 $0x0, s23;
	s31 =	spop (v2sf)  }
0x48: {  	(v2sf) =	vpush v0, $0xC;
	[hbm4b:s29+s3] =	stream.linear.scatter [tilespmem:s31], [sflag:$0x2], $0xA800, $0x38;
	[tilespmem:$0xFC80] =	vst v63  }
0x49: {  	s30 =	rddreg [dreg:$0xe];
	s16 =	sadd.s32 $0x0, s26;
	s18 =	spop (v2sf)  }
0x4a: {  	(v2sf) =	vpush v0, $0xD;
	[hbm4b:s16+s3] =	stream.linear.scatter [tilespmem:s18], [sflag:$0x2], $0xA800, $0x38;
	[tilespmem:$0xFC80] =	vst v63  }
0x4b: {  	s17 =	rddreg [dreg:$0xd];
	s19 =	sadd.s32 $0x0, s30;
	s21 =	spop (v2sf)  }
0x4c: {  	(v2sf) =	vpush v0, $0xE;
	[hbm4b:s19+s3] =	stream.linear.scatter [tilespmem:s21], [sflag:$0x2], $0xA800, $0x38;
	[tilespmem:$0xFC80] =	vst v63  }
0x4d: {  	s20 =	rddreg [dreg:$0xc];
	s22 =	sadd.s32 $0x0, s17;
	s24 =	spop (v2sf)  }
0x4e: {  	(v2sf) =	vpush v0, $0xF;
	[hbm4b:s22+s3] =	stream.linear.scatter [tilespmem:s24], [sflag:$0x2], $0xA800, $0x38;
	[tilespmem:$0xFC80] =	vst v63  }
0x4f: {  	s23 =	rddreg [dreg:$0xb];
	s25 =	sadd.s32 $0x0, s20;
	s28 =	spop (v2sf)  }
0x50: {  	[hbm4b:s25+s3] =	stream.linear.scatter [tilespmem:s28], [sflag:$0x2], $0xA800, $0x38;
	[tilespmem:$0xFC80] =	vst v63  }
0x51: {  	s26 =	rddreg [dreg:$0xa];
	s29 =	sadd.s32 $0x0, s23;
	s31 =	spop (v2sf)  }
0x52: {  	[hbm4b:s29+s3] =	stream.linear.scatter [tilespmem:s31], [sflag:$0x2], $0xA800, $0x38;
	[tilespmem:$0xFC80] =	vst v63  }
0x53: {  	s15 =	sadd.s32 $0x0, s26;
	s30 =	rddreg [dreg:$0x9];
	s17 =	spop (v2sf)  }
0x54: {  	[hbm4b:s15+s3] =	stream.linear.scatter [tilespmem:s17], [sflag:$0x2], $0xA800, $0x38;
	[tilespmem:$0xFC80] =	vst v63  }
0x55: {  	s16 =	rddreg [dreg:$0x8];
	s18 =	sadd.s32 $0x0, s30;
	s20 =	spop (v2sf)  }
0x56: {  	[hbm4b:s18+s3] =	stream.linear.scatter [tilespmem:s20], [sflag:$0x2], $0xA800, $0x38;
	[tilespmem:$0xFC80] =	vst v63  }
0x57: {  	s19 =	rddreg [dreg:$0x7];
	s21 =	sadd.s32 $0x0, s16;
	s23 =	spop (v2sf)  }
0x58: {  	[hbm4b:s21+s3] =	stream.linear.scatter [tilespmem:s23], [sflag:$0x2], $0xA800, $0x38;
	[tilespmem:$0xFC80] =	vst v63  }
0x59: {  	s22 =	rddreg [dreg:$0x6];
	s24 =	sadd.s32 $0x0, s19;
	s26 =	spop (v2sf)  }
0x5a: {  	[hbm4b:s24+s3] =	stream.linear.scatter [tilespmem:s26], [sflag:$0x2], $0xA800, $0x38;
	[tilespmem:$0xFC80] =	vst v63  }
0x5b: {  	s25 =	rddreg [dreg:$0x5];
	s28 =	sadd.s32 $0x0, s22;
	s29 =	spop (v2sf)  }
0x5c: {  	[hbm4b:s28+s3] =	stream.linear.scatter [tilespmem:s29], [sflag:$0x2], $0xA800, $0x38;
	[tilespmem:$0xFC80] =	vst v63  }
0x5d: {  	s13 =	simm.s32 @!p1 $0x2;
	s30 =	sadd.s32 $0x0, s25;
	s31 =	spop (v2sf)  }
0x5e: {  	[hbm4b:s30+s3] =	stream.linear.scatter [tilespmem:s31], [sflag:$0x2], $0xA800, $0x38;
	[tilespmem:$0xFC80] =	vst v63  }
0x5f: {  	_ =	swait.ge @!p1 [sflag:s13], $0xA800  }
0x60: {  	[sflag:s13] =	ssyncset.done @!p1 $0x0  }
0x61: {  	[sflag:s13] =	ssyncadd.s32 @!p1 $0xFFFF5800  }
0x62: {  	_ =	swait.ge @!p1 [sflag:s13], $0xA800  }
0x63: {  	[sflag:s13] =	ssyncset.done @!p1 $0x0  }
0x64: {  	[sflag:s13] =	ssyncadd.s32 @!p1 $0xFFFF5800  }
0x65: {  	_ =	swait.ge @!p1 [sflag:s13], $0xA800  }
0x66: {  	[sflag:s13] =	ssyncset.done @!p1 $0x0  }
0x67: {  	[sflag:s13] =	ssyncadd.s32 @!p1 $0xFFFF5800  }
0x68: {  	_ =	swait.ge @!p1 [sflag:s13], $0xA800  }
0x69: {  	[sflag:s13] =	ssyncset.done @!p1 $0x0  }
0x6a: {  	[sflag:s13] =	ssyncadd.s32 @!p1 $0xFFFF5800  }
0x6b: {  	_ =	swait.ge @!p1 [sflag:s13], $0xA800  }
0x6c: {  	[sflag:s13] =	ssyncset.done @!p1 $0x0  }
0x6d: {  	[sflag:s13] =	ssyncadd.s32 @!p1 $0xFFFF5800  }
0x6e: {  	_ =	swait.ge @!p1 [sflag:s13], $0xA800  }
0x6f: {  	[sflag:s13] =	ssyncset.done @!p1 $0x0  }
0x70: {  	[sflag:s13] =	ssyncadd.s32 @!p1 $0xFFFF5800  }
0x71: {  	_ =	swait.ge @!p1 [sflag:s13], $0xA800  }
0x72: {  	[sflag:s13] =	ssyncset.done @!p1 $0x0  }
0x73: {  	[sflag:s13] =	ssyncadd.s32 @!p1 $0xFFFF5800  }
0x74: {  	_ =	swait.ge @!p1 [sflag:s13], $0xA800  }
0x75: {  	[sflag:s13] =	ssyncset.done @!p1 $0x0  }
0x76: {  	[sflag:s13] =	ssyncadd.s32 @!p1 $0xFFFF5800  }
0x77: {  	_ =	swait.ge @!p1 [sflag:s13], $0xA800  }
0x78: {  	[sflag:s13] =	ssyncset.done @!p1 $0x0  }
0x79: {  	[sflag:s13] =	ssyncadd.s32 @!p1 $0xFFFF5800  }
0x7a: {  	_ =	swait.ge @!p1 [sflag:s13], $0xA800  }
0x7b: {  	[sflag:s13] =	ssyncset.done @!p1 $0x0  }
0x7c: {  	[sflag:s13] =	ssyncadd.s32 @!p1 $0xFFFF5800  }
0x7d: {  	_ =	swait.ge @!p1 [sflag:s13], $0xA800  }
0x7e: {  	[sflag:s13] =	ssyncset.done @!p1 $0x0  }
0x7f: {  	[sflag:s13] =	ssyncadd.s32 @!p1 $0xFFFF5800  }
0x80: {  	_ =	swait.ge @!p1 [sflag:s13], $0xA800  }
0x81: {  	[sflag:s13] =	ssyncset.done @!p1 $0x0  }
0x82: {  	[sflag:s13] =	ssyncadd.s32 @!p1 $0xFFFF5800  }
0x83: {  	_ =	swait.ge @!p1 [sflag:s13], $0xA800  }
0x84: {  	[sflag:s13] =	ssyncset.done @!p1 $0x0  }
0x85: {  	[sflag:s13] =	ssyncadd.s32 @!p1 $0xFFFF5800  }
0x86: {  	_ =	swait.ge @!p1 [sflag:s13], $0xA800  }
0x87: {  	[sflag:s13] =	ssyncset.done @!p1 $0x0  }
0x88: {  	[sflag:s13] =	ssyncadd.s32 @!p1 $0xFFFF5800  }
0x89: {  	_ =	swait.ge @!p1 [sflag:s13], $0xA800  }
0x8a: {  	[sflag:s13] =	ssyncset.done @!p1 $0x0  }
0x8b: {  	[sflag:s13] =	ssyncadd.s32 @!p1 $0xFFFF5800  }
0x8c: {  	s12 =	simm.s32 $0x15000;
	_ =	swait.ge @!p1 [sflag:s13], $0xA800  }
.LBB2_2:
0x8d: {  	[sflag:s13] =	ssyncset.done @!p1 $0x0  }
0x8e: {  	s11 =	sadd.s32 $0x10, s11;
	[sflag:s13] =	ssyncadd.s32 @!p1 $0xFFFF5800  }
0x8f: {  	v0 =	vld [tilespmem:s11+$0x0];
	_ =	sdelay $0x4  }
0x90: {  	v0 =	vshll.u32 v0, $0x9  }
0x91: {  	v0 =	vshra.s32 v0, $0x2  }
0x92: {  	(v2sf) =	vpush v0, $0x0;
	_ =	sdelay $0x1  }
0x93: {  	(v2sf) =	vpush v0, $0x1;
	_ =	sdelay $0x1  }
0x94: {  	(v2sf) =	vpush v0, $0x2;
	_ =	sdelay $0x1  }
0x95: {  	(v2sf) =	vpush v0, $0x3;
	_ =	sdelay $0x1  }
0x96: {  	(v2sf) =	vpush v0, $0x4;
	_ =	sdelay $0x1  }
0x97: {  	(v2sf) =	vpush v0, $0x5;
	_ =	sdelay $0x1  }
0x98: {  	(v2sf) =	vpush v0, $0x6  }
0x99: {  	s28 =	rddreg [dreg:$0x4]  }
0x9a: {  	s14 =	smov.u32 s12;
	s15 =	rddreg [dreg:$0x13];
	(v2sf) =	vpush v0, $0x7  }
0x9b: {  	s16 =	rddreg [dreg:$0x12];
	s13 =	sadd.s32 s14, s28;
	s17 =	spop (v2sf)  }
0x9c: {  	(v2sf) =	vpush v0, $0x8;
	[hbm4b:s13+s3] =	stream.linear.scatter [tilespmem:s17], [sflag:$0x2], $0xA800, $0x38;
	[tilespmem:$0xFC80] =	vst v63  }
0x9d: {  	s30 =	rddreg [dreg:$0x11];
	s29 =	sadd.s32 s14, s15;
	s31 =	spop (v2sf)  }
0x9e: {  	(v2sf) =	vpush v0, $0x9;
	[hbm4b:s29+s3] =	stream.linear.scatter [tilespmem:s31], [sflag:$0x2], $0xA800, $0x38;
	[tilespmem:$0xFC80] =	vst v63  }
0x9f: {  	s18 =	rddreg [dreg:$0x10];
	s17 =	sadd.s32 s14, s16;
	s19 =	spop (v2sf)  }
0xa0: {  	(v2sf) =	vpush v0, $0xA;
	[hbm4b:s17+s3] =	stream.linear.scatter [tilespmem:s19], [sflag:$0x2], $0xA800, $0x38;
	[tilespmem:$0xFC80] =	vst v63  }
0xa1: {  	s21 =	rddreg [dreg:$0xf];
	s20 =	sadd.s32 s14, s30;
	s22 =	spop (v2sf)  }
0xa2: {  	(v2sf) =	vpush v0, $0xB;
	[hbm4b:s20+s3] =	stream.linear.scatter [tilespmem:s22], [sflag:$0x2], $0xA800, $0x38;
	[tilespmem:$0xFC80] =	vst v63  }
0xa3: {  	s24 =	rddreg [dreg:$0xe];
	s23 =	sadd.s32 s14, s18;
	s25 =	spop (v2sf)  }
0xa4: {  	(v2sf) =	vpush v0, $0xC;
	[hbm4b:s23+s3] =	stream.linear.scatter [tilespmem:s25], [sflag:$0x2], $0xA800, $0x38;
	[tilespmem:$0xFC80] =	vst v63  }
0xa5: {  	s26 =	sadd.s32 s14, s21;
	s28 =	rddreg [dreg:$0xd];
	s29 =	spop (v2sf)  }
0xa6: {  	(v2sf) =	vpush v0, $0xD;
	[hbm4b:s26+s3] =	stream.linear.scatter [tilespmem:s29], [sflag:$0x2], $0xA800, $0x38;
	[tilespmem:$0xFC80] =	vst v63  }
0xa7: {  	s30 =	sadd.s32 s14, s24;
	p1 =	seq.s32 s14, $0x0;
	s18 =	spop (v2sf)  }
0xa8: {  	(v2sf) =	vpush v0, $0xE;
	[hbm4b:s30+s3] =	stream.linear.scatter [tilespmem:s18], [sflag:$0x2], $0xA800, $0x38;
	[tilespmem:$0xFC80] =	vst v63  }
0xa9: {  	s31 =	rddreg [dreg:$0xc];
	s19 =	sadd.s32 s14, s28;
	s21 =	spop (v2sf)  }
0xaa: {  	(v2sf) =	vpush v0, $0xF;
	[hbm4b:s19+s3] =	stream.linear.scatter [tilespmem:s21], [sflag:$0x2], $0xA800, $0x38;
	[tilespmem:$0xFC80] =	vst v63  }
0xab: {  	s20 =	rddreg [dreg:$0xb];
	s22 =	sadd.s32 s14, s31;
	s24 =	spop (v2sf)  }
0xac: {  	[hbm4b:s22+s3] =	stream.linear.scatter [tilespmem:s24], [sflag:$0x2], $0xA800, $0x38;
	[tilespmem:$0xFC80] =	vst v63  }
0xad: {  	s23 =	rddreg [dreg:$0xa];
	s25 =	sadd.s32 s14, s20;
	s28 =	spop (v2sf)  }
0xae: {  	[hbm4b:s25+s3] =	stream.linear.scatter [tilespmem:s28], [sflag:$0x2], $0xA800, $0x38;
	[tilespmem:$0xFC80] =	vst v63  }
0xaf: {  	s26 =	rddreg [dreg:$0x9];
	s29 =	sadd.s32 s14, s23;
	s31 =	spop (v2sf)  }
0xb0: {  	[hbm4b:s29+s3] =	stream.linear.scatter [tilespmem:s31], [sflag:$0x2], $0xA800, $0x38;
	[tilespmem:$0xFC80] =	vst v63  }
0xb1: {  	s30 =	rddreg [dreg:$0x8];
	s18 =	sadd.s32 s14, s26;
	s20 =	spop (v2sf)  }
0xb2: {  	[hbm4b:s18+s3] =	stream.linear.scatter [tilespmem:s20], [sflag:$0x2], $0xA800, $0x38;
	[tilespmem:$0xFC80] =	vst v63  }
0xb3: {  	s19 =	rddreg [dreg:$0x7];
	s21 =	sadd.s32 s14, s30;
	s23 =	spop (v2sf)  }
0xb4: {  	[hbm4b:s21+s3] =	stream.linear.scatter [tilespmem:s23], [sflag:$0x2], $0xA800, $0x38;
	[tilespmem:$0xFC80] =	vst v63  }
0xb5: {  	s22 =	rddreg [dreg:$0x6];
	s24 =	sadd.s32 s14, s19;
	s26 =	spop (v2sf)  }
0xb6: {  	[hbm4b:s24+s3] =	stream.linear.scatter [tilespmem:s26], [sflag:$0x2], $0xA800, $0x38;
	[tilespmem:$0xFC80] =	vst v63  }
0xb7: {  	s25 =	rddreg [dreg:$0x5];
	s28 =	sadd.s32 s14, s22;
	s29 =	spop (v2sf)  }
0xb8: {  	[hbm4b:s28+s3] =	stream.linear.scatter [tilespmem:s29], [sflag:$0x2], $0xA800, $0x38;
	[tilespmem:$0xFC80] =	vst v63  }
0xb9: {  	s13 =	simm.s32 @!p1 $0x2;
	s30 =	sadd.s32 s14, s25;
	s31 =	spop (v2sf)  }
0xba: {  	[hbm4b:s30+s3] =	stream.linear.scatter [tilespmem:s31], [sflag:$0x2], $0xA800, $0x38;
	[tilespmem:$0xFC80] =	vst v63  }
0xbb: {  	_ =	swait.ge @!p1 [sflag:s13], $0xA800  }
0xbc: {  	[sflag:s13] =	ssyncset.done @!p1 $0x0  }
0xbd: {  	[sflag:s13] =	ssyncadd.s32 @!p1 $0xFFFF5800  }
0xbe: {  	_ =	swait.ge @!p1 [sflag:s13], $0xA800  }
0xbf: {  	[sflag:s13] =	ssyncset.done @!p1 $0x0  }
0xc0: {  	[sflag:s13] =	ssyncadd.s32 @!p1 $0xFFFF5800  }
0xc1: {  	_ =	swait.ge @!p1 [sflag:s13], $0xA800  }
0xc2: {  	[sflag:s13] =	ssyncset.done @!p1 $0x0  }
0xc3: {  	[sflag:s13] =	ssyncadd.s32 @!p1 $0xFFFF5800  }
0xc4: {  	_ =	swait.ge @!p1 [sflag:s13], $0xA800  }
0xc5: {  	[sflag:s13] =	ssyncset.done @!p1 $0x0  }
0xc6: {  	[sflag:s13] =	ssyncadd.s32 @!p1 $0xFFFF5800  }
0xc7: {  	_ =	swait.ge @!p1 [sflag:s13], $0xA800  }
0xc8: {  	[sflag:s13] =	ssyncset.done @!p1 $0x0  }
0xc9: {  	[sflag:s13] =	ssyncadd.s32 @!p1 $0xFFFF5800  }
0xca: {  	_ =	swait.ge @!p1 [sflag:s13], $0xA800  }
0xcb: {  	[sflag:s13] =	ssyncset.done @!p1 $0x0  }
0xcc: {  	[sflag:s13] =	ssyncadd.s32 @!p1 $0xFFFF5800  }
0xcd: {  	_ =	swait.ge @!p1 [sflag:s13], $0xA800  }
0xce: {  	[sflag:s13] =	ssyncset.done @!p1 $0x0  }
0xcf: {  	[sflag:s13] =	ssyncadd.s32 @!p1 $0xFFFF5800  }
0xd0: {  	_ =	swait.ge @!p1 [sflag:s13], $0xA800  }
0xd1: {  	[sflag:s13] =	ssyncset.done @!p1 $0x0  }
0xd2: {  	[sflag:s13] =	ssyncadd.s32 @!p1 $0xFFFF5800  }
0xd3: {  	_ =	swait.ge @!p1 [sflag:s13], $0xA800  }
0xd4: {  	[sflag:s13] =	ssyncset.done @!p1 $0x0  }
0xd5: {  	[sflag:s13] =	ssyncadd.s32 @!p1 $0xFFFF5800  }
0xd6: {  	_ =	swait.ge @!p1 [sflag:s13], $0xA800  }
0xd7: {  	[sflag:s13] =	ssyncset.done @!p1 $0x0  }
0xd8: {  	[sflag:s13] =	ssyncadd.s32 @!p1 $0xFFFF5800  }
0xd9: {  	_ =	swait.ge @!p1 [sflag:s13], $0xA800  }
0xda: {  	[sflag:s13] =	ssyncset.done @!p1 $0x0  }
0xdb: {  	[sflag:s13] =	ssyncadd.s32 @!p1 $0xFFFF5800  }
0xdc: {  	_ =	swait.ge @!p1 [sflag:s13], $0xA800  }
0xdd: {  	[sflag:s13] =	ssyncset.done @!p1 $0x0  }
0xde: {  	[sflag:s13] =	ssyncadd.s32 @!p1 $0xFFFF5800  }
0xdf: {  	_ =	swait.ge @!p1 [sflag:s13], $0xA800  }
0xe0: {  	[sflag:s13] =	ssyncset.done @!p1 $0x0  }
0xe1: {  	[sflag:s13] =	ssyncadd.s32 @!p1 $0xFFFF5800  }
0xe2: {  	s12 =	sadd.s32 $0x15000, s12;
	_ =	swait.ge @!p1 [sflag:s13], $0xA800  }
0xe3: {  	p0 =	sne.s32 s12, $0xA8000;
	[sflag:s13] =	ssyncset.done @!p1 $0x0  }
.Ltmp0:
0xe4: {  	[sflag:s13] =	ssyncadd.s32 @!p1 $0xFFFF5800;
	(pc) =	sbr.rel @p0 .LBB2_2-.Ltmp0, $4  }
0xe5: {  	_ =	swait.ge @!p1 [sflag:s13], $0xA800  }
0xe6: {  	[sflag:s13] =	ssyncset.done @!p1 $0x0  }
0xe7: {  	[sflag:s13] =	ssyncadd.s32 @!p1 $0xFFFF5800  }
0xe8: {  	_ =	swait.ge @!p1 [sflag:s13], $0xA800  }
0xe9: {  	[sflag:s13] =	ssyncset.done @!p1 $0x0  }
0xea: {  	[sflag:s13] =	ssyncadd.s32 @!p1 $0xFFFF5800  }
0xeb: {  	_ =	swait.ge [sflag:s9], $0xA800  }
0xec: {  	[sflag:s9] =	ssyncset.done $0x0  }
0xed: {  	[sflag:s9] =	ssyncadd.s32 $0xFFFF5800  }
0xee: {  	_ =	swait.ge [sflag:s9], $0xA800  }
0xef: {  	[sflag:s9] =	ssyncset.done $0x0  }
0xf0: {  	[sflag:s9] =	ssyncadd.s32 $0xFFFF5800  }
0xf1: {  	_ =	swait.ge [sflag:s9], $0xA800  }
0xf2: {  	[sflag:s9] =	ssyncset.done $0x0  }
0xf3: {  	[sflag:s9] =	ssyncadd.s32 $0xFFFF5800  }
0xf4: {  	_ =	swait.ge [sflag:s9], $0xA800  }
0xf5: {  	[sflag:s9] =	ssyncset.done $0x0  }
0xf6: {  	[sflag:s9] =	ssyncadd.s32 $0xFFFF5800  }
0xf7: {  	_ =	swait.ge [sflag:s9], $0xA800  }
0xf8: {  	[sflag:s9] =	ssyncset.done $0x0  }
0xf9: {  	[sflag:s9] =	ssyncadd.s32 $0xFFFF5800  }
0xfa: {  	_ =	swait.ge [sflag:s9], $0xA800  }
0xfb: {  	[sflag:s9] =	ssyncset.done $0x0  }
0xfc: {  	[sflag:s9] =	ssyncadd.s32 $0xFFFF5800  }
0xfd: {  	_ =	swait.ge [sflag:s9], $0xA800  }
0xfe: {  	[sflag:s9] =	ssyncset.done $0x0  }
0xff: {  	[sflag:s9] =	ssyncadd.s32 $0xFFFF5800  }
0x100: {  	_ =	swait.ge [sflag:s9], $0xA800  }
0x101: {  	[sflag:s9] =	ssyncset.done $0x0  }
0x102: {  	[sflag:s9] =	ssyncadd.s32 $0xFFFF5800  }
0x103: {  	_ =	swait.ge [sflag:s9], $0xA800  }
0x104: {  	[sflag:s9] =	ssyncset.done $0x0  }
0x105: {  	[sflag:s9] =	ssyncadd.s32 $0xFFFF5800  }
0x106: {  	_ =	swait.ge [sflag:s9], $0xA800  }
0x107: {  	[sflag:s9] =	ssyncset.done $0x0  }
0x108: {  	[sflag:s9] =	ssyncadd.s32 $0xFFFF5800  }
0x109: {  	_ =	swait.ge [sflag:s9], $0xA800  }
0x10a: {  	[sflag:s9] =	ssyncset.done $0x0  }
0x10b: {  	[sflag:s9] =	ssyncadd.s32 $0xFFFF5800  }
0x10c: {  	_ =	swait.ge [sflag:s9], $0xA800  }
0x10d: {  	[sflag:s9] =	ssyncset.done $0x0  }
0x10e: {  	[sflag:s9] =	ssyncadd.s32 $0xFFFF5800  }
0x10f: {  	_ =	swait.ge [sflag:s9], $0xA800  }
0x110: {  	[sflag:s9] =	ssyncset.done $0x0  }
0x111: {  	[sflag:s9] =	ssyncadd.s32 $0xFFFF5800  }
0x112: {  	_ =	swait.ge [sflag:s9], $0xA800  }
0x113: {  	[sflag:s9] =	ssyncset.done $0x0  }
0x114: {  	s10 =	sadd.s32 $0x1, s10;
	[sflag:s9] =	ssyncadd.s32 $0xFFFF5800  }
0x115: {  	p0 =	sne.s32 s10, s5;
	_ =	swait.ge [sflag:s9], $0xA800  }
.Ltmp1:
0x116: {  	[sflag:s9] =	ssyncset.done $0x0;
	(pc) =	sbr.rel @p0 .LBB2_1-.Ltmp1, $4  }
0x117: {  	[sflag:s9] =	ssyncadd.s32 $0xFFFF5800  }
0x118: {  	_ =	swait.ge [sflag:s9], $0xA800  }
0x119: {  	[sflag:s9] =	ssyncset.done $0x0  }
0x11a: {  	[sflag:s9] =	ssyncadd.s32 $0xFFFF5800  }
0x11b: {  	_ =	sfence.sel $0x180000  }
0x11c: {  	[bflag:$0x0] =	sbarrier.arrive $0xFFFF  }
0x11d: {  	p0 =	sne.s32 s0, $0x0;
	_ =	strace $0x90000047  }
0x11e: {  	s0 =	sadd.s32 @!p0 $0x100000, s2;
	[bflag:$0x2] =	sbarrier.arrive $0xFFFF  }
0x11f: {  	[sflag:s0] =	ssyncadd.tile.s32 @!p0 $0x1;
	_ =	shalt  }
.Lfunc_end2:
_tile_overlayer_lowered:
.L_overlay_start_2:
0x120: {  	(tag) =	ssettag $0x2  }
0x121: {  	s0 =	rddreg [dreg:$0x0];
	s2 =	stileid.u32  }
0x122: {  	s1 =	rddreg [dreg:$0x1];
	p0 =	sne.s32 s2, $0x0  }
0x123: {  	s3 =	rddreg [dreg:$0x2];
	[bflag:$0x3] =	sbarrier.arrive $0xFFFF;
	s2 =	simm.s32 @!p0 $0x1C03  }
0x124: {  	[timem:s3], [sflag:s2] =	dma.local @!p0 [hbm:s0], s1  }
0x125: {  	s0 =	simm.s32 @!p0 $0x3  }
0x126: {  	_ =	swait.ge @!p0 [sflag:s0], s1  }
0x127: {  	s1 =	ssub.s32 @!p0 $0x0, s1;
	[sflag:s0] =	ssyncset.done @!p0 $0x0  }
0x128: {  	[sflag:s0] =	ssyncadd.s32 @!p0 s1  }
0x129: {  	[bflag:$0x3] =	sbarrier.arrive $0xFFFF  }
0x12a: {  	_ =	shalt  }

</sc_bundles>
